<compile_context>
chip_gen: v7x
topology: tpu7x:2x2x1
jax: 0.10.2.dev20260603
libtpu: 0.0.44.dev20260713+nightly
codegen_flags: <defaults>
</compile_context>

<pallas_src>
import functools

import jax
import jax.numpy as jnp
from jax import lax
from jax.experimental import pallas as pl
from jax.experimental.pallas import tpu as pltpu
from jax.experimental.pallas import tpu_sc as plsc

_BN = 256
_BL = 512


def _tc_body(scal_ref, lp_ref, aa_ref, am_ref, mk_ref, out_ref, *, nv):
    x = lp_ref[...]
    aa = aa_ref[...]
    am = am_ref[...]
    mk = mk_ref[...]
    dead = mk == 0.0
    a = jnp.where(dead, 0, aa)
    b = jnp.where(dead, 0, am)
    acc0 = jnp.zeros(a.shape, jnp.float32)
    acc1 = jnp.zeros(a.shape, jnp.float32)
    for v in range(nv):
        xv = x[v]
        acc0 = acc0 + jnp.where(a == v, xv, 0.0)
        acc1 = acc1 + jnp.where(b == v, xv, 0.0)
    num = jnp.sum(acc0 - acc1, axis=-1)
    den = jnp.sum(mk, axis=-1)
    out_ref[...] = scal_ref[0, 0] * num / den


def _seq_diffs(log_probs, aa, aa_mut, mask, boltzmann_scalar):
    n, l, v = log_probs.shape
    bn, bl = _BN, _BL
    lp_t = jnp.transpose(log_probs, (2, 0, 1))
    grid = (n // bn,)
    out = pl.pallas_call(
        functools.partial(_tc_body, nv=v),
        grid=grid,
        in_specs=[
            pl.BlockSpec(memory_space=pltpu.SMEM),
            pl.BlockSpec((v, bn, bl), lambda i: (0, i, 0)),
            pl.BlockSpec((bn, bl), lambda i: (i, 0)),
            pl.BlockSpec((bn, bl), lambda i: (i, 0)),
            pl.BlockSpec((bn, bl), lambda i: (i, 0)),
        ],
        out_specs=pl.BlockSpec((bn,), lambda i: (i,)),
        out_shape=jax.ShapeDtypeStruct((n,), jnp.float32),
        compiler_params=pltpu.CompilerParams(
            dimension_semantics=("parallel",)),
    )(boltzmann_scalar.reshape(1, 1), lp_t, aa, aa_mut, mask)
    return out


def _make_sc_segment(n, g):
    mesh = plsc.VectorSubcoreMesh(core_axis_name="c", subcore_axis_name="s")
    f32 = jnp.float32

    @functools.partial(
        pl.kernel,
        mesh=mesh,
        out_type=(
            jax.ShapeDtypeStruct((g,), f32),
            jax.ShapeDtypeStruct((g,), f32),
            jax.ShapeDtypeStruct((16,), f32),
        ),
        scratch_types=[
            pltpu.VMEM((n,), f32),
            pltpu.VMEM((n + 16,), f32),
            pltpu.VMEM((n,), f32),
            pltpu.VMEM((g,), jnp.int32),
            pltpu.VMEM((g,), f32),
            pltpu.VMEM((g,), f32),
            pltpu.VMEM((16,), f32),
            pltpu.VMEM((16,), f32),
            pltpu.VMEM((16,), jnp.int32),
        ],
        compiler_params=pltpu.CompilerParams(needs_layout_passes=False),
    )
    def sc_segment(d_hbm, ddg_hbm, nmc_hbm, pred_hbm, tru_hbm, loss_hbm,
                   d_v, pfx_v, g_v, nmc_v, pred_v, tru_v, loss_v,
                   tf_v, ti_v):
        wid = lax.axis_index("s") * 2 + lax.axis_index("c")
        iota = lax.iota(jnp.int32, 16)
        last = jnp.full((16,), 15, jnp.int32)

        def scan16(x, tmp):
            del tmp
            for s in (1, 2, 4, 8):
                sh = x.at[jnp.maximum(iota - s, 0)].get(
                    mode="promise_in_bounds")
                x = x + jnp.where(iota >= s, sh, jnp.zeros_like(x))
            return x

        def bcast_last(x, tmp):
            del tmp
            return x.at[last].get(mode="promise_in_bounds")

        @pl.when(wid == 0)
        def _():
            pltpu.sync_copy(d_hbm, d_v)
            pltpu.sync_copy(ddg_hbm, g_v)
            pltpu.sync_copy(nmc_hbm, nmc_v)

            def prefix_body(i, carry):
                b = pl.multiple_of(i * 16, 8)
                v = d_v[pl.ds(b, 16)]
                incl = scan16(v, tf_v)
                pfx_v[pl.ds(b, 16)] = (incl - v) + carry
                return carry + bcast_last(incl, tf_v)

            tot = lax.fori_loop(0, n // 16, prefix_body,
                                jnp.zeros((16,), f32))
            pfx_v[pl.ds(n, 16)] = tot

            def seg_body(i, carry):
                off, acc = carry
                b = pl.multiple_of(i * 16, 8)
                v = nmc_v[pl.ds(b, 16)]
                incl = scan16(v, ti_v)
                c = iota + b + off + (incl - v)
                nxt = c + v + 1
                d_c = plsc.load_gather(d_v, [c])
                p_c = plsc.load_gather(pfx_v, [c])
                p_n = plsc.load_gather(pfx_v, [nxt])
                tru = plsc.load_gather(g_v, [c])
                pred = 2.0 * d_c - (p_n - p_c)
                pred_v[pl.ds(b, 16)] = pred
                tru_v[pl.ds(b, 16)] = tru
                e = pred - tru
                return off + bcast_last(incl, ti_v), acc + e * e

            _, acc = lax.fori_loop(
                0, g // 16, seg_body,
                (jnp.zeros((16,), jnp.int32), jnp.zeros((16,), f32)))
            tot_l = bcast_last(scan16(acc, tf_v), tf_v)
            loss_v[...] = tot_l * (1.0 / g)
            pltpu.sync_copy(pred_v, pred_hbm)
            pltpu.sync_copy(tru_v, tru_hbm)
            pltpu.sync_copy(loss_v, loss_hbm)

    return sc_segment


def kernel(log_probs, aa, aa_mut, mask, num_mut_chains, ddG, boltzmann_scalar):
    n = log_probs.shape[0]
    g = num_mut_chains.shape[0]
    d = _seq_diffs(log_probs, aa, aa_mut, mask, boltzmann_scalar)
    pred, tru, loss16 = _make_sc_segment(n, g)(d, ddG, num_mut_chains)
    return (loss16[0], pred, tru)

# --- scband reference (transcript-rebuilt; emitter-appended) ---
"""Pipeline reference for scband-ddgpredictor-49830210568430 (READ-ONLY COPY).

The authoritative reference and input builder live on the scoring server;
editing this copy changes nothing except your own understanding.
"""

import jax, jax.numpy as jnp
import numpy as np

N_COMPLEX = 1536
N = 3072
L = 512
V = 21
LOSS_WEIGHT_BOLTZMANN = 1.0


def _scores(S, log_probs, mask):
    # negative log-likelihood per residue, masked mean per sequence
    nll = -jnp.take_along_axis(log_probs, S[..., None], axis=-1)[..., 0]
    return jnp.sum(nll * mask, axis=-1) / jnp.sum(mask, axis=-1)


def setup_inputs(seed: int = 0) -> dict:
    key = jax.random.key(seed)
    k1, k2, k3, k4 = jax.random.split(key, 4)
    log_probs = jax.random.normal(k1, (N, L, V), dtype=jnp.float32)
    aa = jax.random.randint(k2, (N, L), 0, V, dtype=jnp.int32)
    aa_mut = jax.random.randint(k3, (N, L), 0, V, dtype=jnp.int32)
    mask = jnp.ones((N, L), dtype=jnp.float32)
    num_mut_chains = jnp.ones((N_COMPLEX,), dtype=jnp.int32)
    ddG = jax.random.normal(k4, (N,), dtype=jnp.float32)
    boltzmann_scalar = jnp.ones((1,), dtype=jnp.float32)
    return {
        'log_probs': log_probs,
        'aa': aa,
        'aa_mut': aa_mut,
        'mask': mask,
        'num_mut_chains': num_mut_chains,
        'ddG': ddG,
        'boltzmann_scalar': boltzmann_scalar,
    }


def reference(log_probs, aa, aa_mut, mask, num_mut_chains, ddG, boltzmann_scalar):
    # stand-in for mpnn.deterministic_forward output: normalize logits to log-probs
    log_probs = jax.nn.log_softmax(log_probs, axis=-1)

    wt_scores = _scores(aa, log_probs, mask)
    mut_scores = _scores(aa_mut, log_probs, mask)

    nmc = num_mut_chains
    G = nmc.shape[0]
    n_total = log_probs.shape[0]
    n_single = n_total - G
    complex_indices = jnp.concatenate(
        [jnp.zeros((1,), dtype=nmc.dtype), jnp.cumsum(nmc)]
    )[:-1] + jnp.arange(G, dtype=nmc.dtype)
    all_indices = jnp.arange(n_total, dtype=nmc.dtype)
    single_chain_indices = jnp.setdiff1d(all_indices, complex_indices, size=n_single)
    seg_ids = jnp.repeat(jnp.arange(G), nmc, total_repeat_length=n_single)

    # thermodynamic cycle: gather + scatter_add (segment_sum)
    wt_complex_energy = jnp.take(wt_scores, complex_indices, axis=0)
    wt_single_chain_energy = jnp.take(wt_scores, single_chain_indices, axis=0)
    wt_sum_single = jax.ops.segment_sum(wt_single_chain_energy, seg_ids, num_segments=G)
    wt_scores_cycle = wt_complex_energy - wt_sum_single

    mut_complex_energy = jnp.take(mut_scores, complex_indices, axis=0)
    mut_single_chain_energy = jnp.take(mut_scores, single_chain_indices, axis=0)
    mut_sum_single = jax.ops.segment_sum(mut_single_chain_energy, seg_ids, num_segments=G)
    mut_scores_cycle = mut_complex_energy - mut_sum_single

    scalar = boltzmann_scalar[0]
    mut_scores_cycle = mut_scores_cycle * scalar
    wt_scores_cycle = wt_scores_cycle * scalar
    ddg_pred = mut_scores_cycle - wt_scores_cycle

    ddg_true = jnp.take(ddG, complex_indices, axis=0)
    loss = jnp.mean((ddg_pred - ddg_true) ** 2) * LOSS_WEIGHT_BOLTZMANN
    return (loss, ddg_pred, ddg_true)

if __name__ == "__main__":
    import jax
    _d = setup_inputs()
    print(jax.jit(kernel)(*tuple(_d.values())))

</pallas_src>

<mosaic_0001>
#map = affine_map<(d0, d1) -> (0)>
module attributes {stable_mosaic.version = 14 : i64} {
  func.func @sc_segment(%arg0: i32, %arg1: i32, %arg2: memref<3072xf32, #tpu.memory_space<hbm>>, %arg3: memref<3072xf32, #tpu.memory_space<hbm>>, %arg4: memref<1536xi32, #tpu.memory_space<hbm>>, %arg5: memref<1536xf32, #tpu.memory_space<hbm>>, %arg6: memref<1536xf32, #tpu.memory_space<hbm>>, %arg7: memref<16xf32, #tpu.memory_space<hbm>>, %arg8: memref<3072xf32, #tpu.memory_space<vmem>>, %arg9: memref<3088xf32, #tpu.memory_space<vmem>>, %arg10: memref<3072xf32, #tpu.memory_space<vmem>>, %arg11: memref<1536xi32, #tpu.memory_space<vmem>>, %arg12: memref<1536xf32, #tpu.memory_space<vmem>>, %arg13: memref<1536xf32, #tpu.memory_space<vmem>>, %arg14: memref<16xf32, #tpu.memory_space<vmem>>, %arg15: memref<16xf32, #tpu.memory_space<vmem>>, %arg16: memref<16xi32, #tpu.memory_space<vmem>>) attributes {dimension_semantics = [#tpu.dimension_semantics<core_parallel>, #tpu.dimension_semantics<subcore_parallel>], iteration_bounds = array<i64: 2, 16>, scalar_prefetch = 0 : i64, scratch_operands = 9 : i64, tpu.core_type = #tpu.core_type<sc_vector_subcore>, window_params = [{transform_indices = #map}, {transform_indices = #map}, {transform_indices = #map}, {transform_indices = #map}, {transform_indices = #map}, {transform_indices = #map}]} {
    %mul3A = arith.constant 2 : i32
    %mul3A_0 = arith.muli %arg1, %mul3A : i32
    %add3A = arith.addi %mul3A_0, %arg0 : i32
    %iota3A = tpu.iota {dimensions = array<i32: 0>} : vector<16xi32>
    %broadcast_in_dim3A = arith.constant 15 : i32
    %broadcast_in_dim3A_1 = vector.broadcast %broadcast_in_dim3A : i32 to vector<16xi32>
    %eq3A = arith.constant 0 : i32
    %eq3A_2 = arith.cmpi eq, %add3A, %eq3A : i32
    %convert_element_type3A = arith.extui %eq3A_2 : i1 to i32
    %cond3A = arith.constant 0 : i32
    %cond3A_3 = arith.cmpi ne, %convert_element_type3A, %cond3A : i32
    scf.if %cond3A_3 {
      "tpu.region"() ({
        %run_scoped3A = tpu.sem_alloc : memref<!tpu.dma_semaphore, #tpu.memory_space<semaphore_mem>>
        tpu.enqueue_dma source(%arg2 : memref<3072xf32, #tpu.memory_space<hbm>>) target(%arg8 : memref<3072xf32, #tpu.memory_space<vmem>>) target_semaphore(%run_scoped3A : memref<!tpu.dma_semaphore, #tpu.memory_space<semaphore_mem>>)
        tpu.wait_dma2 semaphore(%run_scoped3A : memref<!tpu.dma_semaphore, #tpu.memory_space<semaphore_mem>>) src(%arg2 : memref<3072xf32, #tpu.memory_space<hbm>>) dst(%arg8 : memref<3072xf32, #tpu.memory_space<vmem>>)
        tpu.yield
      }) : () -> ()
      "tpu.region"() ({
        %run_scoped3A = tpu.sem_alloc : memref<!tpu.dma_semaphore, #tpu.memory_space<semaphore_mem>>
        tpu.enqueue_dma source(%arg3 : memref<3072xf32, #tpu.memory_space<hbm>>) target(%arg10 : memref<3072xf32, #tpu.memory_space<vmem>>) target_semaphore(%run_scoped3A : memref<!tpu.dma_semaphore, #tpu.memory_space<semaphore_mem>>)
        tpu.wait_dma2 semaphore(%run_scoped3A : memref<!tpu.dma_semaphore, #tpu.memory_space<semaphore_mem>>) src(%arg3 : memref<3072xf32, #tpu.memory_space<hbm>>) dst(%arg10 : memref<3072xf32, #tpu.memory_space<vmem>>)
        tpu.yield
      }) : () -> ()
      "tpu.region"() ({
        %run_scoped3A = tpu.sem_alloc : memref<!tpu.dma_semaphore, #tpu.memory_space<semaphore_mem>>
        tpu.enqueue_dma source(%arg4 : memref<1536xi32, #tpu.memory_space<hbm>>) target(%arg11 : memref<1536xi32, #tpu.memory_space<vmem>>) target_semaphore(%run_scoped3A : memref<!tpu.dma_semaphore, #tpu.memory_space<semaphore_mem>>)
        tpu.wait_dma2 semaphore(%run_scoped3A : memref<!tpu.dma_semaphore, #tpu.memory_space<semaphore_mem>>) src(%arg4 : memref<1536xi32, #tpu.memory_space<hbm>>) dst(%arg11 : memref<1536xi32, #tpu.memory_space<vmem>>)
        tpu.yield
      }) : () -> ()
      %broadcast_in_dim3A_4 = arith.constant 0.000000e+00 : f32
      %broadcast_in_dim3A_5 = vector.broadcast %broadcast_in_dim3A_4 : f32 to vector<16xf32>
      %scan3A = arith.constant 0 : i32
      %scan3A_6 = arith.constant 192 : i32
      %scan3A_7 = arith.addi %scan3A, %scan3A_6 : i32
      %scan3A_8 = arith.constant 1 : i32
      %scan3A_9 = scf.for %scan3A_123 = %scan3A to %scan3A_7 step %scan3A_8 iter_args(%scan3A_124 = %broadcast_in_dim3A_5) -> (vector<16xf32>)  : i32 {
        %mul3A_125 = arith.constant 16 : i32
        %mul3A_126 = arith.muli %scan3A_123, %mul3A_125 : i32
        %multiple_of3A = tpu.assume_multiple %mul3A_126, 8 : i32
        %get3A = arith.index_cast %multiple_of3A : i32 to index
        %get3A_127 = tpu.vector_load %arg8[%get3A] {strides = array<i32>} : memref<3072xf32, #tpu.memory_space<vmem>>, vector<16xf32>,
        %sub3A_128 = arith.constant 1 : i32
        %sub3A_129 = vector.broadcast %sub3A_128 : i32 to vector<16xi32>
        %sub3A_130 = arith.subi %iota3A, %sub3A_129 : vector<16xi32>
        %max3A_131 = arith.constant 0 : i32
        %max3A_132 = vector.broadcast %max3A_131 : i32 to vector<16xi32>
        %max3A_133 = arith.maxsi %sub3A_130, %max3A_132 : vector<16xi32>
        %lt3A_134 = arith.constant 0 : i32
        %lt3A_135 = vector.broadcast %lt3A_134 : i32 to vector<16xi32>
        %lt3A_136 = arith.cmpi slt, %max3A_133, %lt3A_135 : vector<16xi32>
        %add3A_137 = arith.constant 16 : i32
        %add3A_138 = vector.broadcast %add3A_137 : i32 to vector<16xi32>
        %add3A_139 = arith.addi %max3A_133, %add3A_138 : vector<16xi32>
        %select_n3A_140 = arith.select %lt3A_136, %add3A_139, %max3A_133 : vector<16xi1>, vector<16xi32>
        %broadcast_in_dim3A_141 = vector.shape_cast %select_n3A_140 : vector<16xi32> to vector<16x1xi32>
        %gather3A_142 = vector.shape_cast %broadcast_in_dim3A_141 : vector<16x1xi32> to vector<16xi32>
        %gather3A_143 = tpu.dynamic_gather %get3A_127[%gather3A_142] in [0] : vector<16xf32>, vector<16xi32> -> vector<16xf32>
        %ge3A_144 = arith.constant 1 : i32
        %ge3A_145 = vector.broadcast %ge3A_144 : i32 to vector<16xi32>
        %ge3A_146 = arith.cmpi sge, %iota3A, %ge3A_145 : vector<16xi32>
        %broadcast_in_dim3A_147 = arith.constant 0.000000e+00 : f32
        %broadcast_in_dim3A_148 = vector.broadcast %broadcast_in_dim3A_147 : f32 to vector<16xf32>
        %select_n3A_149 = arith.select %ge3A_146, %gather3A_143, %broadcast_in_dim3A_148 : vector<16xi1>, vector<16xf32>
        %add3A_150 = arith.addf %get3A_127, %select_n3A_149 : vector<16xf32>
        %sub3A_151 = arith.constant 2 : i32
        %sub3A_152 = vector.broadcast %sub3A_151 : i32 to vector<16xi32>
        %sub3A_153 = arith.subi %iota3A, %sub3A_152 : vector<16xi32>
        %max3A_154 = arith.constant 0 : i32
        %max3A_155 = vector.broadcast %max3A_154 : i32 to vector<16xi32>
        %max3A_156 = arith.maxsi %sub3A_153, %max3A_155 : vector<16xi32>
        %lt3A_157 = arith.constant 0 : i32
        %lt3A_158 = vector.broadcast %lt3A_157 : i32 to vector<16xi32>
        %lt3A_159 = arith.cmpi slt, %max3A_156, %lt3A_158 : vector<16xi32>
        %add3A_160 = arith.constant 16 : i32
        %add3A_161 = vector.broadcast %add3A_160 : i32 to vector<16xi32>
        %add3A_162 = arith.addi %max3A_156, %add3A_161 : vector<16xi32>
        %select_n3A_163 = arith.select %lt3A_159, %add3A_162, %max3A_156 : vector<16xi1>, vector<16xi32>
        %broadcast_in_dim3A_164 = vector.shape_cast %select_n3A_163 : vector<16xi32> to vector<16x1xi32>
        %gather3A_165 = vector.shape_cast %broadcast_in_dim3A_164 : vector<16x1xi32> to vector<16xi32>
        %gather3A_166 = tpu.dynamic_gather %add3A_150[%gather3A_165] in [0] : vector<16xf32>, vector<16xi32> -> vector<16xf32>
        %ge3A_167 = arith.constant 2 : i32
        %ge3A_168 = vector.broadcast %ge3A_167 : i32 to vector<16xi32>
        %ge3A_169 = arith.cmpi sge, %iota3A, %ge3A_168 : vector<16xi32>
        %broadcast_in_dim3A_170 = arith.constant 0.000000e+00 : f32
        %broadcast_in_dim3A_171 = vector.broadcast %broadcast_in_dim3A_170 : f32 to vector<16xf32>
        %select_n3A_172 = arith.select %ge3A_169, %gather3A_166, %broadcast_in_dim3A_171 : vector<16xi1>, vector<16xf32>
        %add3A_173 = arith.addf %add3A_150, %select_n3A_172 : vector<16xf32>
        %sub3A_174 = arith.constant 4 : i32
        %sub3A_175 = vector.broadcast %sub3A_174 : i32 to vector<16xi32>
        %sub3A_176 = arith.subi %iota3A, %sub3A_175 : vector<16xi32>
        %max3A_177 = arith.constant 0 : i32
        %max3A_178 = vector.broadcast %max3A_177 : i32 to vector<16xi32>
        %max3A_179 = arith.maxsi %sub3A_176, %max3A_178 : vector<16xi32>
        %lt3A_180 = arith.constant 0 : i32
        %lt3A_181 = vector.broadcast %lt3A_180 : i32 to vector<16xi32>
        %lt3A_182 = arith.cmpi slt, %max3A_179, %lt3A_181 : vector<16xi32>
        %add3A_183 = arith.constant 16 : i32
        %add3A_184 = vector.broadcast %add3A_183 : i32 to vector<16xi32>
        %add3A_185 = arith.addi %max3A_179, %add3A_184 : vector<16xi32>
        %select_n3A_186 = arith.select %lt3A_182, %add3A_185, %max3A_179 : vector<16xi1>, vector<16xi32>
        %broadcast_in_dim3A_187 = vector.shape_cast %select_n3A_186 : vector<16xi32> to vector<16x1xi32>
        %gather3A_188 = vector.shape_cast %broadcast_in_dim3A_187 : vector<16x1xi32> to vector<16xi32>
        %gather3A_189 = tpu.dynamic_gather %add3A_173[%gather3A_188] in [0] : vector<16xf32>, vector<16xi32> -> vector<16xf32>
        %ge3A_190 = arith.constant 4 : i32
        %ge3A_191 = vector.broadcast %ge3A_190 : i32 to vector<16xi32>
        %ge3A_192 = arith.cmpi sge, %iota3A, %ge3A_191 : vector<16xi32>
        %broadcast_in_dim3A_193 = arith.constant 0.000000e+00 : f32
        %broadcast_in_dim3A_194 = vector.broadcast %broadcast_in_dim3A_193 : f32 to vector<16xf32>
        %select_n3A_195 = arith.select %ge3A_192, %gather3A_189, %broadcast_in_dim3A_194 : vector<16xi1>, vector<16xf32>
        %add3A_196 = arith.addf %add3A_173, %select_n3A_195 : vector<16xf32>
        %sub3A_197 = arith.constant 8 : i32
        %sub3A_198 = vector.broadcast %sub3A_197 : i32 to vector<16xi32>
        %sub3A_199 = arith.subi %iota3A, %sub3A_198 : vector<16xi32>
        %max3A_200 = arith.constant 0 : i32
        %max3A_201 = vector.broadcast %max3A_200 : i32 to vector<16xi32>
        %max3A_202 = arith.maxsi %sub3A_199, %max3A_201 : vector<16xi32>
        %lt3A_203 = arith.constant 0 : i32
        %lt3A_204 = vector.broadcast %lt3A_203 : i32 to vector<16xi32>
        %lt3A_205 = arith.cmpi slt, %max3A_202, %lt3A_204 : vector<16xi32>
        %add3A_206 = arith.constant 16 : i32
        %add3A_207 = vector.broadcast %add3A_206 : i32 to vector<16xi32>
        %add3A_208 = arith.addi %max3A_202, %add3A_207 : vector<16xi32>
        %select_n3A_209 = arith.select %lt3A_205, %add3A_208, %max3A_202 : vector<16xi1>, vector<16xi32>
        %broadcast_in_dim3A_210 = vector.shape_cast %select_n3A_209 : vector<16xi32> to vector<16x1xi32>
        %gather3A_211 = vector.shape_cast %broadcast_in_dim3A_210 : vector<16x1xi32> to vector<16xi32>
        %gather3A_212 = tpu.dynamic_gather %add3A_196[%gather3A_211] in [0] : vector<16xf32>, vector<16xi32> -> vector<16xf32>
        %ge3A_213 = arith.constant 8 : i32
        %ge3A_214 = vector.broadcast %ge3A_213 : i32 to vector<16xi32>
        %ge3A_215 = arith.cmpi sge, %iota3A, %ge3A_214 : vector<16xi32>
        %broadcast_in_dim3A_216 = arith.constant 0.000000e+00 : f32
        %broadcast_in_dim3A_217 = vector.broadcast %broadcast_in_dim3A_216 : f32 to vector<16xf32>
        %select_n3A_218 = arith.select %ge3A_215, %gather3A_212, %broadcast_in_dim3A_217 : vector<16xi1>, vector<16xf32>
        %add3A_219 = arith.addf %add3A_196, %select_n3A_218 : vector<16xf32>
        %sub3A_220 = arith.subf %add3A_219, %get3A_127 : vector<16xf32>
        %add3A_221 = arith.addf %sub3A_220, %scan3A_124 : vector<16xf32>
        %swap3A_222 = arith.index_cast %multiple_of3A : i32 to index
        %swap3A_223 = tpu.vector_load %arg9[%swap3A_222] {strides = array<i32>} : memref<3088xf32, #tpu.memory_space<vmem>>, vector<16xf32>,
        tpu.vector_store %arg9[%swap3A_222], %add3A_221 {strides = array<i32>} : memref<3088xf32, #tpu.memory_space<vmem>>, vector<16xf32>,
        %lt3A_224 = arith.constant 0 : i32
        %lt3A_225 = vector.broadcast %lt3A_224 : i32 to vector<16xi32>
        %lt3A_226 = arith.cmpi slt, %broadcast_in_dim3A_1, %lt3A_225 : vector<16xi32>
        %add3A_227 = arith.constant 16 : i32
        %add3A_228 = vector.broadcast %add3A_227 : i32 to vector<16xi32>
        %add3A_229 = arith.addi %broadcast_in_dim3A_1, %add3A_228 : vector<16xi32>
        %select_n3A_230 = arith.select %lt3A_226, %add3A_229, %broadcast_in_dim3A_1 : vector<16xi1>, vector<16xi32>
        %broadcast_in_dim3A_231 = vector.shape_cast %select_n3A_230 : vector<16xi32> to vector<16x1xi32>
        %gather3A_232 = vector.shape_cast %broadcast_in_dim3A_231 : vector<16x1xi32> to vector<16xi32>
        %gather3A_233 = tpu.dynamic_gather %add3A_219[%gather3A_232] in [0] : vector<16xf32>, vector<16xi32> -> vector<16xf32>
        %add3A_234 = arith.addf %scan3A_124, %gather3A_233 : vector<16xf32>
        scf.yield %add3A_234 : vector<16xf32>
      }
      %scan3A_10 = arith.constant 192 : i32
      %swap3A = arith.constant 3072 : index
      %swap3A_11 = tpu.vector_load %arg9[%swap3A] {strides = array<i32>} : memref<3088xf32, #tpu.memory_space<vmem>>, vector<16xf32>,
      tpu.vector_store %arg9[%swap3A], %scan3A_9 {strides = array<i32>} : memref<3088xf32, #tpu.memory_space<vmem>>, vector<16xf32>,
      %broadcast_in_dim3A_12 = arith.constant 0 : i32
      %broadcast_in_dim3A_13 = vector.broadcast %broadcast_in_dim3A_12 : i32 to vector<16xi32>
      %broadcast_in_dim3A_14 = arith.constant 0.000000e+00 : f32
      %broadcast_in_dim3A_15 = vector.broadcast %broadcast_in_dim3A_14 : f32 to vector<16xf32>
      %scan3A_16 = arith.constant 0 : i32
      %scan3A_17 = arith.constant 96 : i32
      %scan3A_18 = arith.addi %scan3A_16, %scan3A_17 : i32
      %scan3A_19 = arith.constant 1 : i32
      %scan3A_20:2 = scf.for %scan3A_123 = %scan3A_16 to %scan3A_18 step %scan3A_19 iter_args(%scan3A_124 = %broadcast_in_dim3A_13, %scan3A_125 = %broadcast_in_dim3A_15) -> (vector<16xi32>, vector<16xf32>)  : i32 {
        %mul3A_126 = arith.constant 16 : i32
        %mul3A_127 = arith.muli %scan3A_123, %mul3A_126 : i32
        %multiple_of3A = tpu.assume_multiple %mul3A_127, 8 : i32
        %get3A = arith.index_cast %multiple_of3A : i32 to index
        %get3A_128 = tpu.vector_load %arg11[%get3A] {strides = array<i32>} : memref<1536xi32, #tpu.memory_space<vmem>>, vector<16xi32>,
        %sub3A_129 = arith.constant 1 : i32
        %sub3A_130 = vector.broadcast %sub3A_129 : i32 to vector<16xi32>
        %sub3A_131 = arith.subi %iota3A, %sub3A_130 : vector<16xi32>
        %max3A_132 = arith.constant 0 : i32
        %max3A_133 = vector.broadcast %max3A_132 : i32 to vector<16xi32>
        %max3A_134 = arith.maxsi %sub3A_131, %max3A_133 : vector<16xi32>
        %lt3A_135 = arith.constant 0 : i32
        %lt3A_136 = vector.broadcast %lt3A_135 : i32 to vector<16xi32>
        %lt3A_137 = arith.cmpi slt, %max3A_134, %lt3A_136 : vector<16xi32>
        %add3A_138 = arith.constant 16 : i32
        %add3A_139 = vector.broadcast %add3A_138 : i32 to vector<16xi32>
        %add3A_140 = arith.addi %max3A_134, %add3A_139 : vector<16xi32>
        %select_n3A_141 = arith.select %lt3A_137, %add3A_140, %max3A_134 : vector<16xi1>, vector<16xi32>
        %broadcast_in_dim3A_142 = vector.shape_cast %select_n3A_141 : vector<16xi32> to vector<16x1xi32>
        %gather3A_143 = vector.shape_cast %broadcast_in_dim3A_142 : vector<16x1xi32> to vector<16xi32>
        %gather3A_144 = tpu.dynamic_gather %get3A_128[%gather3A_143] in [0] : vector<16xi32>, vector<16xi32> -> vector<16xi32>
        %ge3A_145 = arith.constant 1 : i32
        %ge3A_146 = vector.broadcast %ge3A_145 : i32 to vector<16xi32>
        %ge3A_147 = arith.cmpi sge, %iota3A, %ge3A_146 : vector<16xi32>
        %broadcast_in_dim3A_148 = arith.constant 0 : i32
        %broadcast_in_dim3A_149 = vector.broadcast %broadcast_in_dim3A_148 : i32 to vector<16xi32>
        %select_n3A_150 = arith.select %ge3A_147, %gather3A_144, %broadcast_in_dim3A_149 : vector<16xi1>, vector<16xi32>
        %add3A_151 = arith.addi %get3A_128, %select_n3A_150 : vector<16xi32>
        %sub3A_152 = arith.constant 2 : i32
        %sub3A_153 = vector.broadcast %sub3A_152 : i32 to vector<16xi32>
        %sub3A_154 = arith.subi %iota3A, %sub3A_153 : vector<16xi32>
        %max3A_155 = arith.constant 0 : i32
        %max3A_156 = vector.broadcast %max3A_155 : i32 to vector<16xi32>
        %max3A_157 = arith.maxsi %sub3A_154, %max3A_156 : vector<16xi32>
        %lt3A_158 = arith.constant 0 : i32
        %lt3A_159 = vector.broadcast %lt3A_158 : i32 to vector<16xi32>
        %lt3A_160 = arith.cmpi slt, %max3A_157, %lt3A_159 : vector<16xi32>
        %add3A_161 = arith.constant 16 : i32
        %add3A_162 = vector.broadcast %add3A_161 : i32 to vector<16xi32>
        %add3A_163 = arith.addi %max3A_157, %add3A_162 : vector<16xi32>
        %select_n3A_164 = arith.select %lt3A_160, %add3A_163, %max3A_157 : vector<16xi1>, vector<16xi32>
        %broadcast_in_dim3A_165 = vector.shape_cast %select_n3A_164 : vector<16xi32> to vector<16x1xi32>
        %gather3A_166 = vector.shape_cast %broadcast_in_dim3A_165 : vector<16x1xi32> to vector<16xi32>
        %gather3A_167 = tpu.dynamic_gather %add3A_151[%gather3A_166] in [0] : vector<16xi32>, vector<16xi32> -> vector<16xi32>
        %ge3A_168 = arith.constant 2 : i32
        %ge3A_169 = vector.broadcast %ge3A_168 : i32 to vector<16xi32>
        %ge3A_170 = arith.cmpi sge, %iota3A, %ge3A_169 : vector<16xi32>
        %broadcast_in_dim3A_171 = arith.constant 0 : i32
        %broadcast_in_dim3A_172 = vector.broadcast %broadcast_in_dim3A_171 : i32 to vector<16xi32>
        %select_n3A_173 = arith.select %ge3A_170, %gather3A_167, %broadcast_in_dim3A_172 : vector<16xi1>, vector<16xi32>
        %add3A_174 = arith.addi %add3A_151, %select_n3A_173 : vector<16xi32>
        %sub3A_175 = arith.constant 4 : i32
        %sub3A_176 = vector.broadcast %sub3A_175 : i32 to vector<16xi32>
        %sub3A_177 = arith.subi %iota3A, %sub3A_176 : vector<16xi32>
        %max3A_178 = arith.constant 0 : i32
        %max3A_179 = vector.broadcast %max3A_178 : i32 to vector<16xi32>
        %max3A_180 = arith.maxsi %sub3A_177, %max3A_179 : vector<16xi32>
        %lt3A_181 = arith.constant 0 : i32
        %lt3A_182 = vector.broadcast %lt3A_181 : i32 to vector<16xi32>
        %lt3A_183 = arith.cmpi slt, %max3A_180, %lt3A_182 : vector<16xi32>
        %add3A_184 = arith.constant 16 : i32
        %add3A_185 = vector.broadcast %add3A_184 : i32 to vector<16xi32>
        %add3A_186 = arith.addi %max3A_180, %add3A_185 : vector<16xi32>
        %select_n3A_187 = arith.select %lt3A_183, %add3A_186, %max3A_180 : vector<16xi1>, vector<16xi32>
        %broadcast_in_dim3A_188 = vector.shape_cast %select_n3A_187 : vector<16xi32> to vector<16x1xi32>
        %gather3A_189 = vector.shape_cast %broadcast_in_dim3A_188 : vector<16x1xi32> to vector<16xi32>
        %gather3A_190 = tpu.dynamic_gather %add3A_174[%gather3A_189] in [0] : vector<16xi32>, vector<16xi32> -> vector<16xi32>
        %ge3A_191 = arith.constant 4 : i32
        %ge3A_192 = vector.broadcast %ge3A_191 : i32 to vector<16xi32>
        %ge3A_193 = arith.cmpi sge, %iota3A, %ge3A_192 : vector<16xi32>
        %broadcast_in_dim3A_194 = arith.constant 0 : i32
        %broadcast_in_dim3A_195 = vector.broadcast %broadcast_in_dim3A_194 : i32 to vector<16xi32>
        %select_n3A_196 = arith.select %ge3A_193, %gather3A_190, %broadcast_in_dim3A_195 : vector<16xi1>, vector<16xi32>
        %add3A_197 = arith.addi %add3A_174, %select_n3A_196 : vector<16xi32>
        %sub3A_198 = arith.constant 8 : i32
        %sub3A_199 = vector.broadcast %sub3A_198 : i32 to vector<16xi32>
        %sub3A_200 = arith.subi %iota3A, %sub3A_199 : vector<16xi32>
        %max3A_201 = arith.constant 0 : i32
        %max3A_202 = vector.broadcast %max3A_201 : i32 to vector<16xi32>
        %max3A_203 = arith.maxsi %sub3A_200, %max3A_202 : vector<16xi32>
        %lt3A_204 = arith.constant 0 : i32
        %lt3A_205 = vector.broadcast %lt3A_204 : i32 to vector<16xi32>
        %lt3A_206 = arith.cmpi slt, %max3A_203, %lt3A_205 : vector<16xi32>
        %add3A_207 = arith.constant 16 : i32
        %add3A_208 = vector.broadcast %add3A_207 : i32 to vector<16xi32>
        %add3A_209 = arith.addi %max3A_203, %add3A_208 : vector<16xi32>
        %select_n3A_210 = arith.select %lt3A_206, %add3A_209, %max3A_203 : vector<16xi1>, vector<16xi32>
        %broadcast_in_dim3A_211 = vector.shape_cast %select_n3A_210 : vector<16xi32> to vector<16x1xi32>
        %gather3A_212 = vector.shape_cast %broadcast_in_dim3A_211 : vector<16x1xi32> to vector<16xi32>
        %gather3A_213 = tpu.dynamic_gather %add3A_197[%gather3A_212] in [0] : vector<16xi32>, vector<16xi32> -> vector<16xi32>
        %ge3A_214 = arith.constant 8 : i32
        %ge3A_215 = vector.broadcast %ge3A_214 : i32 to vector<16xi32>
        %ge3A_216 = arith.cmpi sge, %iota3A, %ge3A_215 : vector<16xi32>
        %broadcast_in_dim3A_217 = arith.constant 0 : i32
        %broadcast_in_dim3A_218 = vector.broadcast %broadcast_in_dim3A_217 : i32 to vector<16xi32>
        %select_n3A_219 = arith.select %ge3A_216, %gather3A_213, %broadcast_in_dim3A_218 : vector<16xi1>, vector<16xi32>
        %add3A_220 = arith.addi %add3A_197, %select_n3A_219 : vector<16xi32>
        %add3A_221 = vector.broadcast %multiple_of3A : i32 to vector<16xi32>
        %add3A_222 = arith.addi %iota3A, %add3A_221 : vector<16xi32>
        %add3A_223 = arith.addi %add3A_222, %scan3A_124 : vector<16xi32>
        %sub3A_224 = arith.subi %add3A_220, %get3A_128 : vector<16xi32>
        %add3A_225 = arith.addi %add3A_223, %sub3A_224 : vector<16xi32>
        %add3A_226 = arith.addi %add3A_225, %get3A_128 : vector<16xi32>
        %add3A_227 = arith.constant 1 : i32
        %add3A_228 = vector.broadcast %add3A_227 : i32 to vector<16xi32>
        %add3A_229 = arith.addi %add3A_226, %add3A_228 : vector<16xi32>
        %gather3A_230 = tpu.vector_load_idx %arg8[%add3A_225] : memref<3072xf32, #tpu.memory_space<vmem>>[vector<16xi32>], vector<16xf32>,
        %gather3A_231 = tpu.vector_load_idx %arg9[%add3A_225] : memref<3088xf32, #tpu.memory_space<vmem>>[vector<16xi32>], vector<16xf32>,
        %gather3A_232 = tpu.vector_load_idx %arg9[%add3A_229] : memref<3088xf32, #tpu.memory_space<vmem>>[vector<16xi32>], vector<16xf32>,
        %gather3A_233 = tpu.vector_load_idx %arg10[%add3A_225] : memref<3072xf32, #tpu.memory_space<vmem>>[vector<16xi32>], vector<16xf32>,
        %mul3A_234 = arith.constant 2.000000e+00 : f32
        %mul3A_235 = vector.broadcast %mul3A_234 : f32 to vector<16xf32>
        %mul3A_236 = arith.mulf %mul3A_235, %gather3A_230 : vector<16xf32>
        %sub3A_237 = arith.subf %gather3A_232, %gather3A_231 : vector<16xf32>
        %sub3A_238 = arith.subf %mul3A_236, %sub3A_237 : vector<16xf32>
        %swap3A_239 = arith.index_cast %multiple_of3A : i32 to index
        %swap3A_240 = tpu.vector_load %arg12[%swap3A_239] {strides = array<i32>} : memref<1536xf32, #tpu.memory_space<vmem>>, vector<16xf32>,
        tpu.vector_store %arg12[%swap3A_239], %sub3A_238 {strides = array<i32>} : memref<1536xf32, #tpu.memory_space<vmem>>, vector<16xf32>,
        %swap3A_241 = arith.index_cast %multiple_of3A : i32 to index
        %swap3A_242 = tpu.vector_load %arg13[%swap3A_241] {strides = array<i32>} : memref<1536xf32, #tpu.memory_space<vmem>>, vector<16xf32>,
        tpu.vector_store %arg13[%swap3A_241], %gather3A_233 {strides = array<i32>} : memref<1536xf32, #tpu.memory_space<vmem>>, vector<16xf32>,
        %sub3A_243 = arith.subf %sub3A_238, %gather3A_233 : vector<16xf32>
        %lt3A_244 = arith.constant 0 : i32
        %lt3A_245 = vector.broadcast %lt3A_244 : i32 to vector<16xi32>
        %lt3A_246 = arith.cmpi slt, %broadcast_in_dim3A_1, %lt3A_245 : vector<16xi32>
        %add3A_247 = arith.constant 16 : i32
        %add3A_248 = vector.broadcast %add3A_247 : i32 to vector<16xi32>
        %add3A_249 = arith.addi %broadcast_in_dim3A_1, %add3A_248 : vector<16xi32>
        %select_n3A_250 = arith.select %lt3A_246, %add3A_249, %broadcast_in_dim3A_1 : vector<16xi1>, vector<16xi32>
        %broadcast_in_dim3A_251 = vector.shape_cast %select_n3A_250 : vector<16xi32> to vector<16x1xi32>
        %gather3A_252 = vector.shape_cast %broadcast_in_dim3A_251 : vector<16x1xi32> to vector<16xi32>
        %gather3A_253 = tpu.dynamic_gather %add3A_220[%gather3A_252] in [0] : vector<16xi32>, vector<16xi32> -> vector<16xi32>
        %add3A_254 = arith.addi %scan3A_124, %gather3A_253 : vector<16xi32>
        %mul3A_255 = arith.mulf %sub3A_243, %sub3A_243 : vector<16xf32>
        %add3A_256 = arith.addf %scan3A_125, %mul3A_255 : vector<16xf32>
        scf.yield %add3A_254, %add3A_256 : vector<16xi32>, vector<16xf32>
      }
      %scan3A_21 = arith.constant 96 : i32
      %sub3A = arith.constant 1 : i32
      %sub3A_22 = vector.broadcast %sub3A : i32 to vector<16xi32>
      %sub3A_23 = arith.subi %iota3A, %sub3A_22 : vector<16xi32>
      %max3A = arith.constant 0 : i32
      %max3A_24 = vector.broadcast %max3A : i32 to vector<16xi32>
      %max3A_25 = arith.maxsi %sub3A_23, %max3A_24 : vector<16xi32>
      %lt3A = arith.constant 0 : i32
      %lt3A_26 = vector.broadcast %lt3A : i32 to vector<16xi32>
      %lt3A_27 = arith.cmpi slt, %max3A_25, %lt3A_26 : vector<16xi32>
      %add3A_28 = arith.constant 16 : i32
      %add3A_29 = vector.broadcast %add3A_28 : i32 to vector<16xi32>
      %add3A_30 = arith.addi %max3A_25, %add3A_29 : vector<16xi32>
      %select_n3A = arith.select %lt3A_27, %add3A_30, %max3A_25 : vector<16xi1>, vector<16xi32>
      %broadcast_in_dim3A_31 = vector.shape_cast %select_n3A : vector<16xi32> to vector<16x1xi32>
      %gather3A = vector.shape_cast %broadcast_in_dim3A_31 : vector<16x1xi32> to vector<16xi32>
      %gather3A_32 = tpu.dynamic_gather %scan3A_20#1[%gather3A] in [0] : vector<16xf32>, vector<16xi32> -> vector<16xf32>
      %ge3A = arith.constant 1 : i32
      %ge3A_33 = vector.broadcast %ge3A : i32 to vector<16xi32>
      %ge3A_34 = arith.cmpi sge, %iota3A, %ge3A_33 : vector<16xi32>
      %broadcast_in_dim3A_35 = arith.constant 0.000000e+00 : f32
      %broadcast_in_dim3A_36 = vector.broadcast %broadcast_in_dim3A_35 : f32 to vector<16xf32>
      %select_n3A_37 = arith.select %ge3A_34, %gather3A_32, %broadcast_in_dim3A_36 : vector<16xi1>, vector<16xf32>
      %add3A_38 = arith.addf %scan3A_20#1, %select_n3A_37 : vector<16xf32>
      %sub3A_39 = arith.constant 2 : i32
      %sub3A_40 = vector.broadcast %sub3A_39 : i32 to vector<16xi32>
      %sub3A_41 = arith.subi %iota3A, %sub3A_40 : vector<16xi32>
      %max3A_42 = arith.constant 0 : i32
      %max3A_43 = vector.broadcast %max3A_42 : i32 to vector<16xi32>
      %max3A_44 = arith.maxsi %sub3A_41, %max3A_43 : vector<16xi32>
      %lt3A_45 = arith.constant 0 : i32
      %lt3A_46 = vector.broadcast %lt3A_45 : i32 to vector<16xi32>
      %lt3A_47 = arith.cmpi slt, %max3A_44, %lt3A_46 : vector<16xi32>
      %add3A_48 = arith.constant 16 : i32
      %add3A_49 = vector.broadcast %add3A_48 : i32 to vector<16xi32>
      %add3A_50 = arith.addi %max3A_44, %add3A_49 : vector<16xi32>
      %select_n3A_51 = arith.select %lt3A_47, %add3A_50, %max3A_44 : vector<16xi1>, vector<16xi32>
      %broadcast_in_dim3A_52 = vector.shape_cast %select_n3A_51 : vector<16xi32> to vector<16x1xi32>
      %gather3A_53 = vector.shape_cast %broadcast_in_dim3A_52 : vector<16x1xi32> to vector<16xi32>
      %gather3A_54 = tpu.dynamic_gather %add3A_38[%gather3A_53] in [0] : vector<16xf32>, vector<16xi32> -> vector<16xf32>
      %ge3A_55 = arith.constant 2 : i32
      %ge3A_56 = vector.broadcast %ge3A_55 : i32 to vector<16xi32>
      %ge3A_57 = arith.cmpi sge, %iota3A, %ge3A_56 : vector<16xi32>
      %broadcast_in_dim3A_58 = arith.constant 0.000000e+00 : f32
      %broadcast_in_dim3A_59 = vector.broadcast %broadcast_in_dim3A_58 : f32 to vector<16xf32>
      %select_n3A_60 = arith.select %ge3A_57, %gather3A_54, %broadcast_in_dim3A_59 : vector<16xi1>, vector<16xf32>
      %add3A_61 = arith.addf %add3A_38, %select_n3A_60 : vector<16xf32>
      %sub3A_62 = arith.constant 4 : i32
      %sub3A_63 = vector.broadcast %sub3A_62 : i32 to vector<16xi32>
      %sub3A_64 = arith.subi %iota3A, %sub3A_63 : vector<16xi32>
      %max3A_65 = arith.constant 0 : i32
      %max3A_66 = vector.broadcast %max3A_65 : i32 to vector<16xi32>
      %max3A_67 = arith.maxsi %sub3A_64, %max3A_66 : vector<16xi32>
      %lt3A_68 = arith.constant 0 : i32
      %lt3A_69 = vector.broadcast %lt3A_68 : i32 to vector<16xi32>
      %lt3A_70 = arith.cmpi slt, %max3A_67, %lt3A_69 : vector<16xi32>
      %add3A_71 = arith.constant 16 : i32
      %add3A_72 = vector.broadcast %add3A_71 : i32 to vector<16xi32>
      %add3A_73 = arith.addi %max3A_67, %add3A_72 : vector<16xi32>
      %select_n3A_74 = arith.select %lt3A_70, %add3A_73, %max3A_67 : vector<16xi1>, vector<16xi32>
      %broadcast_in_dim3A_75 = vector.shape_cast %select_n3A_74 : vector<16xi32> to vector<16x1xi32>
      %gather3A_76 = vector.shape_cast %broadcast_in_dim3A_75 : vector<16x1xi32> to vector<16xi32>
      %gather3A_77 = tpu.dynamic_gather %add3A_61[%gather3A_76] in [0] : vector<16xf32>, vector<16xi32> -> vector<16xf32>
      %ge3A_78 = arith.constant 4 : i32
      %ge3A_79 = vector.broadcast %ge3A_78 : i32 to vector<16xi32>
      %ge3A_80 = arith.cmpi sge, %iota3A, %ge3A_79 : vector<16xi32>
      %broadcast_in_dim3A_81 = arith.constant 0.000000e+00 : f32
      %broadcast_in_dim3A_82 = vector.broadcast %broadcast_in_dim3A_81 : f32 to vector<16xf32>
      %select_n3A_83 = arith.select %ge3A_80, %gather3A_77, %broadcast_in_dim3A_82 : vector<16xi1>, vector<16xf32>
      %add3A_84 = arith.addf %add3A_61, %select_n3A_83 : vector<16xf32>
      %sub3A_85 = arith.constant 8 : i32
      %sub3A_86 = vector.broadcast %sub3A_85 : i32 to vector<16xi32>
      %sub3A_87 = arith.subi %iota3A, %sub3A_86 : vector<16xi32>
      %max3A_88 = arith.constant 0 : i32
      %max3A_89 = vector.broadcast %max3A_88 : i32 to vector<16xi32>
      %max3A_90 = arith.maxsi %sub3A_87, %max3A_89 : vector<16xi32>
      %lt3A_91 = arith.constant 0 : i32
      %lt3A_92 = vector.broadcast %lt3A_91 : i32 to vector<16xi32>
      %lt3A_93 = arith.cmpi slt, %max3A_90, %lt3A_92 : vector<16xi32>
      %add3A_94 = arith.constant 16 : i32
      %add3A_95 = vector.broadcast %add3A_94 : i32 to vector<16xi32>
      %add3A_96 = arith.addi %max3A_90, %add3A_95 : vector<16xi32>
      %select_n3A_97 = arith.select %lt3A_93, %add3A_96, %max3A_90 : vector<16xi1>, vector<16xi32>
      %broadcast_in_dim3A_98 = vector.shape_cast %select_n3A_97 : vector<16xi32> to vector<16x1xi32>
      %gather3A_99 = vector.shape_cast %broadcast_in_dim3A_98 : vector<16x1xi32> to vector<16xi32>
      %gather3A_100 = tpu.dynamic_gather %add3A_84[%gather3A_99] in [0] : vector<16xf32>, vector<16xi32> -> vector<16xf32>
      %ge3A_101 = arith.constant 8 : i32
      %ge3A_102 = vector.broadcast %ge3A_101 : i32 to vector<16xi32>
      %ge3A_103 = arith.cmpi sge, %iota3A, %ge3A_102 : vector<16xi32>
      %broadcast_in_dim3A_104 = arith.constant 0.000000e+00 : f32
      %broadcast_in_dim3A_105 = vector.broadcast %broadcast_in_dim3A_104 : f32 to vector<16xf32>
      %select_n3A_106 = arith.select %ge3A_103, %gather3A_100, %broadcast_in_dim3A_105 : vector<16xi1>, vector<16xf32>
      %add3A_107 = arith.addf %add3A_84, %select_n3A_106 : vector<16xf32>
      %lt3A_108 = arith.constant 0 : i32
      %lt3A_109 = vector.broadcast %lt3A_108 : i32 to vector<16xi32>
      %lt3A_110 = arith.cmpi slt, %broadcast_in_dim3A_1, %lt3A_109 : vector<16xi32>
      %add3A_111 = arith.constant 16 : i32
      %add3A_112 = vector.broadcast %add3A_111 : i32 to vector<16xi32>
      %add3A_113 = arith.addi %broadcast_in_dim3A_1, %add3A_112 : vector<16xi32>
      %select_n3A_114 = arith.select %lt3A_110, %add3A_113, %broadcast_in_dim3A_1 : vector<16xi1>, vector<16xi32>
      %broadcast_in_dim3A_115 = vector.shape_cast %select_n3A_114 : vector<16xi32> to vector<16x1xi32>
      %gather3A_116 = vector.shape_cast %broadcast_in_dim3A_115 : vector<16x1xi32> to vector<16xi32>
      %gather3A_117 = tpu.dynamic_gather %add3A_107[%gather3A_116] in [0] : vector<16xf32>, vector<16xi32> -> vector<16xf32>
      %mul3A_118 = arith.constant 6.51041686E-4 : f32
      %mul3A_119 = vector.broadcast %mul3A_118 : f32 to vector<16xf32>
      %mul3A_120 = arith.mulf %gather3A_117, %mul3A_119 : vector<16xf32>
      %swap3A_121 = arith.constant 0 : index
      %swap3A_122 = tpu.vector_load %arg14[%swap3A_121] {strides = array<i32>} : memref<16xf32, #tpu.memory_space<vmem>>, vector<16xf32>,
      tpu.vector_store %arg14[%swap3A_121], %mul3A_120 {strides = array<i32>} : memref<16xf32, #tpu.memory_space<vmem>>, vector<16xf32>,
      "tpu.region"() ({
        %run_scoped3A = tpu.sem_alloc : memref<!tpu.dma_semaphore, #tpu.memory_space<semaphore_mem>>
        tpu.enqueue_dma source(%arg12 : memref<1536xf32, #tpu.memory_space<vmem>>) target(%arg5 : memref<1536xf32, #tpu.memory_space<hbm>>) target_semaphore(%run_scoped3A : memref<!tpu.dma_semaphore, #tpu.memory_space<semaphore_mem>>)
        tpu.wait_dma2 semaphore(%run_scoped3A : memref<!tpu.dma_semaphore, #tpu.memory_space<semaphore_mem>>) src(%arg12 : memref<1536xf32, #tpu.memory_space<vmem>>) dst(%arg5 : memref<1536xf32, #tpu.memory_space<hbm>>)
        tpu.yield
      }) : () -> ()
      "tpu.region"() ({
        %run_scoped3A = tpu.sem_alloc : memref<!tpu.dma_semaphore, #tpu.memory_space<semaphore_mem>>
        tpu.enqueue_dma source(%arg13 : memref<1536xf32, #tpu.memory_space<vmem>>) target(%arg6 : memref<1536xf32, #tpu.memory_space<hbm>>) target_semaphore(%run_scoped3A : memref<!tpu.dma_semaphore, #tpu.memory_space<semaphore_mem>>)
        tpu.wait_dma2 semaphore(%run_scoped3A : memref<!tpu.dma_semaphore, #tpu.memory_space<semaphore_mem>>) src(%arg13 : memref<1536xf32, #tpu.memory_space<vmem>>) dst(%arg6 : memref<1536xf32, #tpu.memory_space<hbm>>)
        tpu.yield
      }) : () -> ()
      "tpu.region"() ({
        %run_scoped3A = tpu.sem_alloc : memref<!tpu.dma_semaphore, #tpu.memory_space<semaphore_mem>>
        tpu.enqueue_dma source(%arg14 : memref<16xf32, #tpu.memory_space<vmem>>) target(%arg7 : memref<16xf32, #tpu.memory_space<hbm>>) target_semaphore(%run_scoped3A : memref<!tpu.dma_semaphore, #tpu.memory_space<semaphore_mem>>)
        tpu.wait_dma2 semaphore(%run_scoped3A : memref<!tpu.dma_semaphore, #tpu.memory_space<semaphore_mem>>) src(%arg14 : memref<16xf32, #tpu.memory_space<vmem>>) dst(%arg7 : memref<16xf32, #tpu.memory_space<hbm>>)
        tpu.yield
      }) : () -> ()
    } else {
    }
    return
  }
}

module attributes {stable_mosaic.version = 14 : i64} {
  func.func @_tc_body(%arg0: i32, %arg1: memref<1x1xf32, #tpu.memory_space<smem>>, %arg2: memref<21x256x512xf32, #tpu.memory_space<vmem>>, %arg3: memref<256x512xi32, #tpu.memory_space<vmem>>, %arg4: memref<256x512xi32, #tpu.memory_space<vmem>>, %arg5: memref<256x512xf32, #tpu.memory_space<vmem>>, %arg6: memref<256xf32, #tpu.memory_space<vmem>>) attributes {dimension_semantics = [#tpu.dimension_semantics<parallel>], iteration_bounds = array<i64: 12>, scalar_prefetch = 0 : i64, scratch_operands = 0 : i64, tpu.core_type = #tpu.core_type<tc>, window_params = [{transform_indices = @transform_0, window_bounds = array<i64: 1, 1>}, {transform_indices = @transform_1, window_bounds = array<i64: 21, 256, 512>}, {transform_indices = @transform_2, window_bounds = array<i64: 256, 512>}, {transform_indices = @transform_3, window_bounds = array<i64: 256, 512>}, {transform_indices = @transform_4, window_bounds = array<i64: 256, 512>}, {transform_indices = @transform_5, window_bounds = array<i64: 256>}]} {
    %get3A = arith.constant 0 : index
    %get3A_0 = arith.constant 0 : index
    %get3A_1 = arith.constant 0 : index
    %get3A_2 = vector.load %arg2[%get3A, %get3A_0, %get3A_1] : memref<21x256x512xf32, #tpu.memory_space<vmem>>, vector<21x256x512xf32>
    %get3A_3 = arith.constant 0 : index
    %get3A_4 = arith.constant 0 : index
    %get3A_5 = vector.load %arg3[%get3A_3, %get3A_4] : memref<256x512xi32, #tpu.memory_space<vmem>>, vector<256x512xi32>
    %get3A_6 = arith.constant 0 : index
    %get3A_7 = arith.constant 0 : index
    %get3A_8 = vector.load %arg4[%get3A_6, %get3A_7] : memref<256x512xi32, #tpu.memory_space<vmem>>, vector<256x512xi32>
    %get3A_9 = arith.constant 0 : index
    %get3A_10 = arith.constant 0 : index
    %get3A_11 = vector.load %arg5[%get3A_9, %get3A_10] : memref<256x512xf32, #tpu.memory_space<vmem>>, vector<256x512xf32>
    %eq3A = arith.constant 0.000000e+00 : f32
    %eq3A_12 = vector.broadcast %eq3A : f32 to vector<256x512xf32>
    %eq3A_13 = arith.cmpf oeq, %get3A_11, %eq3A_12 : vector<256x512xf32>
    %jit3A = arith.constant 0 : i32
    %broadcast_in_dim3A = vector.broadcast %jit3A : i32 to vector<256x512xi32>
    %select_n3A = arith.select %eq3A_13, %broadcast_in_dim3A, %get3A_5 : vector<256x512xi1>, vector<256x512xi32>
    %jit3A_14 = arith.constant 0 : i32
    %broadcast_in_dim3A_15 = vector.broadcast %jit3A_14 : i32 to vector<256x512xi32>
    %select_n3A_16 = arith.select %eq3A_13, %broadcast_in_dim3A_15, %get3A_8 : vector<256x512xi1>, vector<256x512xi32>
    %broadcast_in_dim3A_17 = arith.constant 0.000000e+00 : f32
    %broadcast_in_dim3A_18 = vector.broadcast %broadcast_in_dim3A_17 : f32 to vector<256x512xf32>
    %broadcast_in_dim3A_19 = arith.constant 0.000000e+00 : f32
    %broadcast_in_dim3A_20 = vector.broadcast %broadcast_in_dim3A_19 : f32 to vector<256x512xf32>
    %slice3A = vector.extract_strided_slice %get3A_2 {offsets = [0, 0, 0], sizes = [1, 256, 512], strides = [1, 1, 1]} : vector<21x256x512xf32> to vector<1x256x512xf32>
    %squeeze3A = vector.shape_cast %slice3A : vector<1x256x512xf32> to vector<256x512xf32>
    %eq3A_21 = arith.constant 0 : i32
    %eq3A_22 = vector.broadcast %eq3A_21 : i32 to vector<256x512xi32>
    %eq3A_23 = arith.cmpi eq, %select_n3A, %eq3A_22 : vector<256x512xi32>
    %jit3A_24 = arith.constant 0.000000e+00 : f32
    %broadcast_in_dim3A_25 = vector.broadcast %jit3A_24 : f32 to vector<256x512xf32>
    %select_n3A_26 = arith.select %eq3A_23, %squeeze3A, %broadcast_in_dim3A_25 : vector<256x512xi1>, vector<256x512xf32>
    %add3A = arith.addf %broadcast_in_dim3A_18, %select_n3A_26 : vector<256x512xf32>
    %eq3A_27 = arith.constant 0 : i32
    %eq3A_28 = vector.broadcast %eq3A_27 : i32 to vector<256x512xi32>
    %eq3A_29 = arith.cmpi eq, %select_n3A_16, %eq3A_28 : vector<256x512xi32>
    %jit3A_30 = arith.constant 0.000000e+00 : f32
    %broadcast_in_dim3A_31 = vector.broadcast %jit3A_30 : f32 to vector<256x512xf32>
    %select_n3A_32 = arith.select %eq3A_29, %squeeze3A, %broadcast_in_dim3A_31 : vector<256x512xi1>, vector<256x512xf32>
    %add3A_33 = arith.addf %broadcast_in_dim3A_20, %select_n3A_32 : vector<256x512xf32>
    %slice3A_34 = vector.extract_strided_slice %get3A_2 {offsets = [1, 0, 0], sizes = [1, 256, 512], strides = [1, 1, 1]} : vector<21x256x512xf32> to vector<1x256x512xf32>
    %squeeze3A_35 = vector.shape_cast %slice3A_34 : vector<1x256x512xf32> to vector<256x512xf32>
    %eq3A_36 = arith.constant 1 : i32
    %eq3A_37 = vector.broadcast %eq3A_36 : i32 to vector<256x512xi32>
    %eq3A_38 = arith.cmpi eq, %select_n3A, %eq3A_37 : vector<256x512xi32>
    %jit3A_39 = arith.constant 0.000000e+00 : f32
    %broadcast_in_dim3A_40 = vector.broadcast %jit3A_39 : f32 to vector<256x512xf32>
    %select_n3A_41 = arith.select %eq3A_38, %squeeze3A_35, %broadcast_in_dim3A_40 : vector<256x512xi1>, vector<256x512xf32>
    %add3A_42 = arith.addf %add3A, %select_n3A_41 : vector<256x512xf32>
    %eq3A_43 = arith.constant 1 : i32
    %eq3A_44 = vector.broadcast %eq3A_43 : i32 to vector<256x512xi32>
    %eq3A_45 = arith.cmpi eq, %select_n3A_16, %eq3A_44 : vector<256x512xi32>
    %jit3A_46 = arith.constant 0.000000e+00 : f32
    %broadcast_in_dim3A_47 = vector.broadcast %jit3A_46 : f32 to vector<256x512xf32>
    %select_n3A_48 = arith.select %eq3A_45, %squeeze3A_35, %broadcast_in_dim3A_47 : vector<256x512xi1>, vector<256x512xf32>
    %add3A_49 = arith.addf %add3A_33, %select_n3A_48 : vector<256x512xf32>
    %slice3A_50 = vector.extract_strided_slice %get3A_2 {offsets = [2, 0, 0], sizes = [1, 256, 512], strides = [1, 1, 1]} : vector<21x256x512xf32> to vector<1x256x512xf32>
    %squeeze3A_51 = vector.shape_cast %slice3A_50 : vector<1x256x512xf32> to vector<256x512xf32>
    %eq3A_52 = arith.constant 2 : i32
    %eq3A_53 = vector.broadcast %eq3A_52 : i32 to vector<256x512xi32>
    %eq3A_54 = arith.cmpi eq, %select_n3A, %eq3A_53 : vector<256x512xi32>
    %jit3A_55 = arith.constant 0.000000e+00 : f32
    %broadcast_in_dim3A_56 = vector.broadcast %jit3A_55 : f32 to vector<256x512xf32>
    %select_n3A_57 = arith.select %eq3A_54, %squeeze3A_51, %broadcast_in_dim3A_56 : vector<256x512xi1>, vector<256x512xf32>
    %add3A_58 = arith.addf %add3A_42, %select_n3A_57 : vector<256x512xf32>
    %eq3A_59 = arith.constant 2 : i32
    %eq3A_60 = vector.broadcast %eq3A_59 : i32 to vector<256x512xi32>
    %eq3A_61 = arith.cmpi eq, %select_n3A_16, %eq3A_60 : vector<256x512xi32>
    %jit3A_62 = arith.constant 0.000000e+00 : f32
    %broadcast_in_dim3A_63 = vector.broadcast %jit3A_62 : f32 to vector<256x512xf32>
    %select_n3A_64 = arith.select %eq3A_61, %squeeze3A_51, %broadcast_in_dim3A_63 : vector<256x512xi1>, vector<256x512xf32>
    %add3A_65 = arith.addf %add3A_49, %select_n3A_64 : vector<256x512xf32>
    %slice3A_66 = vector.extract_strided_slice %get3A_2 {offsets = [3, 0, 0], sizes = [1, 256, 512], strides = [1, 1, 1]} : vector<21x256x512xf32> to vector<1x256x512xf32>
    %squeeze3A_67 = vector.shape_cast %slice3A_66 : vector<1x256x512xf32> to vector<256x512xf32>
    %eq3A_68 = arith.constant 3 : i32
    %eq3A_69 = vector.broadcast %eq3A_68 : i32 to vector<256x512xi32>
    %eq3A_70 = arith.cmpi eq, %select_n3A, %eq3A_69 : vector<256x512xi32>
    %jit3A_71 = arith.constant 0.000000e+00 : f32
    %broadcast_in_dim3A_72 = vector.broadcast %jit3A_71 : f32 to vector<256x512xf32>
    %select_n3A_73 = arith.select %eq3A_70, %squeeze3A_67, %broadcast_in_dim3A_72 : vector<256x512xi1>, vector<256x512xf32>
    %add3A_74 = arith.addf %add3A_58, %select_n3A_73 : vector<256x512xf32>
    %eq3A_75 = arith.constant 3 : i32
    %eq3A_76 = vector.broadcast %eq3A_75 : i32 to vector<256x512xi32>
    %eq3A_77 = arith.cmpi eq, %select_n3A_16, %eq3A_76 : vector<256x512xi32>
    %jit3A_78 = arith.constant 0.000000e+00 : f32
    %broadcast_in_dim3A_79 = vector.broadcast %jit3A_78 : f32 to vector<256x512xf32>
    %select_n3A_80 = arith.select %eq3A_77, %squeeze3A_67, %broadcast_in_dim3A_79 : vector<256x512xi1>, vector<256x512xf32>
    %add3A_81 = arith.addf %add3A_65, %select_n3A_80 : vector<256x512xf32>
    %slice3A_82 = vector.extract_strided_slice %get3A_2 {offsets = [4, 0, 0], sizes = [1, 256, 512], strides = [1, 1, 1]} : vector<21x256x512xf32> to vector<1x256x512xf32>
    %squeeze3A_83 = vector.shape_cast %slice3A_82 : vector<1x256x512xf32> to vector<256x512xf32>
    %eq3A_84 = arith.constant 4 : i32
    %eq3A_85 = vector.broadcast %eq3A_84 : i32 to vector<256x512xi32>
    %eq3A_86 = arith.cmpi eq, %select_n3A, %eq3A_85 : vector<256x512xi32>
    %jit3A_87 = arith.constant 0.000000e+00 : f32
    %broadcast_in_dim3A_88 = vector.broadcast %jit3A_87 : f32 to vector<256x512xf32>
    %select_n3A_89 = arith.select %eq3A_86, %squeeze3A_83, %broadcast_in_dim3A_88 : vector<256x512xi1>, vector<256x512xf32>
    %add3A_90 = arith.addf %add3A_74, %select_n3A_89 : vector<256x512xf32>
    %eq3A_91 = arith.constant 4 : i32
    %eq3A_92 = vector.broadcast %eq3A_91 : i32 to vector<256x512xi32>
    %eq3A_93 = arith.cmpi eq, %select_n3A_16, %eq3A_92 : vector<256x512xi32>
    %jit3A_94 = arith.constant 0.000000e+00 : f32
    %broadcast_in_dim3A_95 = vector.broadcast %jit3A_94 : f32 to vector<256x512xf32>
    %select_n3A_96 = arith.select %eq3A_93, %squeeze3A_83, %broadcast_in_dim3A_95 : vector<256x512xi1>, vector<256x512xf32>
    %add3A_97 = arith.addf %add3A_81, %select_n3A_96 : vector<256x512xf32>
    %slice3A_98 = vector.extract_strided_slice %get3A_2 {offsets = [5, 0, 0], sizes = [1, 256, 512], strides = [1, 1, 1]} : vector<21x256x512xf32> to vector<1x256x512xf32>
    %squeeze3A_99 = vector.shape_cast %slice3A_98 : vector<1x256x512xf32> to vector<256x512xf32>
    %eq3A_100 = arith.constant 5 : i32
    %eq3A_101 = vector.broadcast %eq3A_100 : i32 to vector<256x512xi32>
    %eq3A_102 = arith.cmpi eq, %select_n3A, %eq3A_101 : vector<256x512xi32>
    %jit3A_103 = arith.constant 0.000000e+00 : f32
    %broadcast_in_dim3A_104 = vector.broadcast %jit3A_103 : f32 to vector<256x512xf32>
    %select_n3A_105 = arith.select %eq3A_102, %squeeze3A_99, %broadcast_in_dim3A_104 : vector<256x512xi1>, vector<256x512xf32>
    %add3A_106 = arith.addf %add3A_90, %select_n3A_105 : vector<256x512xf32>
    %eq3A_107 = arith.constant 5 : i32
    %eq3A_108 = vector.broadcast %eq3A_107 : i32 to vector<256x512xi32>
    %eq3A_109 = arith.cmpi eq, %select_n3A_16, %eq3A_108 : vector<256x512xi32>
    %jit3A_110 = arith.constant 0.000000e+00 : f32
    %broadcast_in_dim3A_111 = vector.broadcast %jit3A_110 : f32 to vector<256x512xf32>
    %select_n3A_112 = arith.select %eq3A_109, %squeeze3A_99, %broadcast_in_dim3A_111 : vector<256x512xi1>, vector<256x512xf32>
    %add3A_113 = arith.addf %add3A_97, %select_n3A_112 : vector<256x512xf32>
    %slice3A_114 = vector.extract_strided_slice %get3A_2 {offsets = [6, 0, 0], sizes = [1, 256, 512], strides = [1, 1, 1]} : vector<21x256x512xf32> to vector<1x256x512xf32>
    %squeeze3A_115 = vector.shape_cast %slice3A_114 : vector<1x256x512xf32> to vector<256x512xf32>
    %eq3A_116 = arith.constant 6 : i32
    %eq3A_117 = vector.broadcast %eq3A_116 : i32 to vector<256x512xi32>
    %eq3A_118 = arith.cmpi eq, %select_n3A, %eq3A_117 : vector<256x512xi32>
    %jit3A_119 = arith.constant 0.000000e+00 : f32
    %broadcast_in_dim3A_120 = vector.broadcast %jit3A_119 : f32 to vector<256x512xf32>
    %select_n3A_121 = arith.select %eq3A_118, %squeeze3A_115, %broadcast_in_dim3A_120 : vector<256x512xi1>, vector<256x512xf32>
    %add3A_122 = arith.addf %add3A_106, %select_n3A_121 : vector<256x512xf32>
    %eq3A_123 = arith.constant 6 : i32
    %eq3A_124 = vector.broadcast %eq3A_123 : i32 to vector<256x512xi32>
    %eq3A_125 = arith.cmpi eq, %select_n3A_16, %eq3A_124 : vector<256x512xi32>
    %jit3A_126 = arith.constant 0.000000e+00 : f32
    %broadcast_in_dim3A_127 = vector.broadcast %jit3A_126 : f32 to vector<256x512xf32>
    %select_n3A_128 = arith.select %eq3A_125, %squeeze3A_115, %broadcast_in_dim3A_127 : vector<256x512xi1>, vector<256x512xf32>
    %add3A_129 = arith.addf %add3A_113, %select_n3A_128 : vector<256x512xf32>
    %slice3A_130 = vector.extract_strided_slice %get3A_2 {offsets = [7, 0, 0], sizes = [1, 256, 512], strides = [1, 1, 1]} : vector<21x256x512xf32> to vector<1x256x512xf32>
    %squeeze3A_131 = vector.shape_cast %slice3A_130 : vector<1x256x512xf32> to vector<256x512xf32>
    %eq3A_132 = arith.constant 7 : i32
    %eq3A_133 = vector.broadcast %eq3A_132 : i32 to vector<256x512xi32>
    %eq3A_134 = arith.cmpi eq, %select_n3A, %eq3A_133 : vector<256x512xi32>
    %jit3A_135 = arith.constant 0.000000e+00 : f32
    %broadcast_in_dim3A_136 = vector.broadcast %jit3A_135 : f32 to vector<256x512xf32>
    %select_n3A_137 = arith.select %eq3A_134, %squeeze3A_131, %broadcast_in_dim3A_136 : vector<256x512xi1>, vector<256x512xf32>
    %add3A_138 = arith.addf %add3A_122, %select_n3A_137 : vector<256x512xf32>
    %eq3A_139 = arith.constant 7 : i32
    %eq3A_140 = vector.broadcast %eq3A_139 : i32 to vector<256x512xi32>
    %eq3A_141 = arith.cmpi eq, %select_n3A_16, %eq3A_140 : vector<256x512xi32>
    %jit3A_142 = arith.constant 0.000000e+00 : f32
    %broadcast_in_dim3A_143 = vector.broadcast %jit3A_142 : f32 to vector<256x512xf32>
    %select_n3A_144 = arith.select %eq3A_141, %squeeze3A_131, %broadcast_in_dim3A_143 : vector<256x512xi1>, vector<256x512xf32>
    %add3A_145 = arith.addf %add3A_129, %select_n3A_144 : vector<256x512xf32>
    %slice3A_146 = vector.extract_strided_slice %get3A_2 {offsets = [8, 0, 0], sizes = [1, 256, 512], strides = [1, 1, 1]} : vector<21x256x512xf32> to vector<1x256x512xf32>
    %squeeze3A_147 = vector.shape_cast %slice3A_146 : vector<1x256x512xf32> to vector<256x512xf32>
    %eq3A_148 = arith.constant 8 : i32
    %eq3A_149 = vector.broadcast %eq3A_148 : i32 to vector<256x512xi32>
    %eq3A_150 = arith.cmpi eq, %select_n3A, %eq3A_149 : vector<256x512xi32>
    %jit3A_151 = arith.constant 0.000000e+00 : f32
    %broadcast_in_dim3A_152 = vector.broadcast %jit3A_151 : f32 to vector<256x512xf32>
    %select_n3A_153 = arith.select %eq3A_150, %squeeze3A_147, %broadcast_in_dim3A_152 : vector<256x512xi1>, vector<256x512xf32>
    %add3A_154 = arith.addf %add3A_138, %select_n3A_153 : vector<256x512xf32>
    %eq3A_155 = arith.constant 8 : i32
    %eq3A_156 = vector.broadcast %eq3A_155 : i32 to vector<256x512xi32>
    %eq3A_157 = arith.cmpi eq, %select_n3A_16, %eq3A_156 : vector<256x512xi32>
    %jit3A_158 = arith.constant 0.000000e+00 : f32
    %broadcast_in_dim3A_159 = vector.broadcast %jit3A_158 : f32 to vector<256x512xf32>
    %select_n3A_160 = arith.select %eq3A_157, %squeeze3A_147, %broadcast_in_dim3A_159 : vector<256x512xi1>, vector<256x512xf32>
    %add3A_161 = arith.addf %add3A_145, %select_n3A_160 : vector<256x512xf32>
    %slice3A_162 = vector.extract_strided_slice %get3A_2 {offsets = [9, 0, 0], sizes = [1, 256, 512], strides = [1, 1, 1]} : vector<21x256x512xf32> to vector<1x256x512xf32>
    %squeeze3A_163 = vector.shape_cast %slice3A_162 : vector<1x256x512xf32> to vector<256x512xf32>
    %eq3A_164 = arith.constant 9 : i32
    %eq3A_165 = vector.broadcast %eq3A_164 : i32 to vector<256x512xi32>
    %eq3A_166 = arith.cmpi eq, %select_n3A, %eq3A_165 : vector<256x512xi32>
    %jit3A_167 = arith.constant 0.000000e+00 : f32
    %broadcast_in_dim3A_168 = vector.broadcast %jit3A_167 : f32 to vector<256x512xf32>
    %select_n3A_169 = arith.select %eq3A_166, %squeeze3A_163, %broadcast_in_dim3A_168 : vector<256x512xi1>, vector<256x512xf32>
    %add3A_170 = arith.addf %add3A_154, %select_n3A_169 : vector<256x512xf32>
    %eq3A_171 = arith.constant 9 : i32
    %eq3A_172 = vector.broadcast %eq3A_171 : i32 to vector<256x512xi32>
    %eq3A_173 = arith.cmpi eq, %select_n3A_16, %eq3A_172 : vector<256x512xi32>
    %jit3A_174 = arith.constant 0.000000e+00 : f32
    %broadcast_in_dim3A_175 = vector.broadcast %jit3A_174 : f32 to vector<256x512xf32>
    %select_n3A_176 = arith.select %eq3A_173, %squeeze3A_163, %broadcast_in_dim3A_175 : vector<256x512xi1>, vector<256x512xf32>
    %add3A_177 = arith.addf %add3A_161, %select_n3A_176 : vector<256x512xf32>
    %slice3A_178 = vector.extract_strided_slice %get3A_2 {offsets = [10, 0, 0], sizes = [1, 256, 512], strides = [1, 1, 1]} : vector<21x256x512xf32> to vector<1x256x512xf32>
    %squeeze3A_179 = vector.shape_cast %slice3A_178 : vector<1x256x512xf32> to vector<256x512xf32>
    %eq3A_180 = arith.constant 10 : i32
    %eq3A_181 = vector.broadcast %eq3A_180 : i32 to vector<256x512xi32>
    %eq3A_182 = arith.cmpi eq, %select_n3A, %eq3A_181 : vector<256x512xi32>
    %jit3A_183 = arith.constant 0.000000e+00 : f32
    %broadcast_in_dim3A_184 = vector.broadcast %jit3A_183 : f32 to vector<256x512xf32>
    %select_n3A_185 = arith.select %eq3A_182, %squeeze3A_179, %broadcast_in_dim3A_184 : vector<256x512xi1>, vector<256x512xf32>
    %add3A_186 = arith.addf %add3A_170, %select_n3A_185 : vector<256x512xf32>
    %eq3A_187 = arith.constant 10 : i32
    %eq3A_188 = vector.broadcast %eq3A_187 : i32 to vector<256x512xi32>
    %eq3A_189 = arith.cmpi eq, %select_n3A_16, %eq3A_188 : vector<256x512xi32>
    %jit3A_190 = arith.constant 0.000000e+00 : f32
    %broadcast_in_dim3A_191 = vector.broadcast %jit3A_190 : f32 to vector<256x512xf32>
    %select_n3A_192 = arith.select %eq3A_189, %squeeze3A_179, %broadcast_in_dim3A_191 : vector<256x512xi1>, vector<256x512xf32>
    %add3A_193 = arith.addf %add3A_177, %select_n3A_192 : vector<256x512xf32>
    %slice3A_194 = vector.extract_strided_slice %get3A_2 {offsets = [11, 0, 0], sizes = [1, 256, 512], strides = [1, 1, 1]} : vector<21x256x512xf32> to vector<1x256x512xf32>
    %squeeze3A_195 = vector.shape_cast %slice3A_194 : vector<1x256x512xf32> to vector<256x512xf32>
    %eq3A_196 = arith.constant 11 : i32
    %eq3A_197 = vector.broadcast %eq3A_196 : i32 to vector<256x512xi32>
    %eq3A_198 = arith.cmpi eq, %select_n3A, %eq3A_197 : vector<256x512xi32>
    %jit3A_199 = arith.constant 0.000000e+00 : f32
    %broadcast_in_dim3A_200 = vector.broadcast %jit3A_199 : f32 to vector<256x512xf32>
    %select_n3A_201 = arith.select %eq3A_198, %squeeze3A_195, %broadcast_in_dim3A_200 : vector<256x512xi1>, vector<256x512xf32>
    %add3A_202 = arith.addf %add3A_186, %select_n3A_201 : vector<256x512xf32>
    %eq3A_203 = arith.constant 11 : i32
    %eq3A_204 = vector.broadcast %eq3A_203 : i32 to vector<256x512xi32>
    %eq3A_205 = arith.cmpi eq, %select_n3A_16, %eq3A_204 : vector<256x512xi32>
    %jit3A_206 = arith.constant 0.000000e+00 : f32
    %broadcast_in_dim3A_207 = vector.broadcast %jit3A_206 : f32 to vector<256x512xf32>
    %select_n3A_208 = arith.select %eq3A_205, %squeeze3A_195, %broadcast_in_dim3A_207 : vector<256x512xi1>, vector<256x512xf32>
    %add3A_209 = arith.addf %add3A_193, %select_n3A_208 : vector<256x512xf32>
    %slice3A_210 = vector.extract_strided_slice %get3A_2 {offsets = [12, 0, 0], sizes = [1, 256, 512], strides = [1, 1, 1]} : vector<21x256x512xf32> to vector<1x256x512xf32>
    %squeeze3A_211 = vector.shape_cast %slice3A_210 : vector<1x256x512xf32> to vector<256x512xf32>
    %eq3A_212 = arith.constant 12 : i32
    %eq3A_213 = vector.broadcast %eq3A_212 : i32 to vector<256x512xi32>
    %eq3A_214 = arith.cmpi eq, %select_n3A, %eq3A_213 : vector<256x512xi32>
    %jit3A_215 = arith.constant 0.000000e+00 : f32
    %broadcast_in_dim3A_216 = vector.broadcast %jit3A_215 : f32 to vector<256x512xf32>
    %select_n3A_217 = arith.select %eq3A_214, %squeeze3A_211, %broadcast_in_dim3A_216 : vector<256x512xi1>, vector<256x512xf32>
    %add3A_218 = arith.addf %add3A_202, %select_n3A_217 : vector<256x512xf32>
    %eq3A_219 = arith.constant 12 : i32
    %eq3A_220 = vector.broadcast %eq3A_219 : i32 to vector<256x512xi32>
    %eq3A_221 = arith.cmpi eq, %select_n3A_16, %eq3A_220 : vector<256x512xi32>
    %jit3A_222 = arith.constant 0.000000e+00 : f32
    %broadcast_in_dim3A_223 = vector.broadcast %jit3A_222 : f32 to vector<256x512xf32>
    %select_n3A_224 = arith.select %eq3A_221, %squeeze3A_211, %broadcast_in_dim3A_223 : vector<256x512xi1>, vector<256x512xf32>
    %add3A_225 = arith.addf %add3A_209, %select_n3A_224 : vector<256x512xf32>
    %slice3A_226 = vector.extract_strided_slice %get3A_2 {offsets = [13, 0, 0], sizes = [1, 256, 512], strides = [1, 1, 1]} : vector<21x256x512xf32> to vector<1x256x512xf32>
    %squeeze3A_227 = vector.shape_cast %slice3A_226 : vector<1x256x512xf32> to vector<256x512xf32>
    %eq3A_228 = arith.constant 13 : i32
    %eq3A_229 = vector.broadcast %eq3A_228 : i32 to vector<256x512xi32>
    %eq3A_230 = arith.cmpi eq, %select_n3A, %eq3A_229 : vector<256x512xi32>
    %jit3A_231 = arith.constant 0.000000e+00 : f32
    %broadcast_in_dim3A_232 = vector.broadcast %jit3A_231 : f32 to vector<256x512xf32>
    %select_n3A_233 = arith.select %eq3A_230, %squeeze3A_227, %broadcast_in_dim3A_232 : vector<256x512xi1>, vector<256x512xf32>
    %add3A_234 = arith.addf %add3A_218, %select_n3A_233 : vector<256x512xf32>
    %eq3A_235 = arith.constant 13 : i32
    %eq3A_236 = vector.broadcast %eq3A_235 : i32 to vector<256x512xi32>
    %eq3A_237 = arith.cmpi eq, %select_n3A_16, %eq3A_236 : vector<256x512xi32>
    %jit3A_238 = arith.constant 0.000000e+00 : f32
    %broadcast_in_dim3A_239 = vector.broadcast %jit3A_238 : f32 to vector<256x512xf32>
    %select_n3A_240 = arith.select %eq3A_237, %squeeze3A_227, %broadcast_in_dim3A_239 : vector<256x512xi1>, vector<256x512xf32>
    %add3A_241 = arith.addf %add3A_225, %select_n3A_240 : vector<256x512xf32>
    %slice3A_242 = vector.extract_strided_slice %get3A_2 {offsets = [14, 0, 0], sizes = [1, 256, 512], strides = [1, 1, 1]} : vector<21x256x512xf32> to vector<1x256x512xf32>
    %squeeze3A_243 = vector.shape_cast %slice3A_242 : vector<1x256x512xf32> to vector<256x512xf32>
    %eq3A_244 = arith.constant 14 : i32
    %eq3A_245 = vector.broadcast %eq3A_244 : i32 to vector<256x512xi32>
    %eq3A_246 = arith.cmpi eq, %select_n3A, %eq3A_245 : vector<256x512xi32>
    %jit3A_247 = arith.constant 0.000000e+00 : f32
    %broadcast_in_dim3A_248 = vector.broadcast %jit3A_247 : f32 to vector<256x512xf32>
    %select_n3A_249 = arith.select %eq3A_246, %squeeze3A_243, %broadcast_in_dim3A_248 : vector<256x512xi1>, vector<256x512xf32>
    %add3A_250 = arith.addf %add3A_234, %select_n3A_249 : vector<256x512xf32>
    %eq3A_251 = arith.constant 14 : i32
    %eq3A_252 = vector.broadcast %eq3A_251 : i32 to vector<256x512xi32>
    %eq3A_253 = arith.cmpi eq, %select_n3A_16, %eq3A_252 : vector<256x512xi32>
    %jit3A_254 = arith.constant 0.000000e+00 : f32
    %broadcast_in_dim3A_255 = vector.broadcast %jit3A_254 : f32 to vector<256x512xf32>
    %select_n3A_256 = arith.select %eq3A_253, %squeeze3A_243, %broadcast_in_dim3A_255 : vector<256x512xi1>, vector<256x512xf32>
    %add3A_257 = arith.addf %add3A_241, %select_n3A_256 : vector<256x512xf32>
    %slice3A_258 = vector.extract_strided_slice %get3A_2 {offsets = [15, 0, 0], sizes = [1, 256, 512], strides = [1, 1, 1]} : vector<21x256x512xf32> to vector<1x256x512xf32>
    %squeeze3A_259 = vector.shape_cast %slice3A_258 : vector<1x256x512xf32> to vector<256x512xf32>
    %eq3A_260 = arith.constant 15 : i32
    %eq3A_261 = vector.broadcast %eq3A_260 : i32 to vector<256x512xi32>
    %eq3A_262 = arith.cmpi eq, %select_n3A, %eq3A_261 : vector<256x512xi32>
    %jit3A_263 = arith.constant 0.000000e+00 : f32
    %broadcast_in_dim3A_264 = vector.broadcast %jit3A_263 : f32 to vector<256x512xf32>
    %select_n3A_265 = arith.select %eq3A_262, %squeeze3A_259, %broadcast_in_dim3A_264 : vector<256x512xi1>, vector<256x512xf32>
    %add3A_266 = arith.addf %add3A_250, %select_n3A_265 : vector<256x512xf32>
    %eq3A_267 = arith.constant 15 : i32
    %eq3A_268 = vector.broadcast %eq3A_267 : i32 to vector<256x512xi32>
    %eq3A_269 = arith.cmpi eq, %select_n3A_16, %eq3A_268 : vector<256x512xi32>
    %jit3A_270 = arith.constant 0.000000e+00 : f32
    %broadcast_in_dim3A_271 = vector.broadcast %jit3A_270 : f32 to vector<256x512xf32>
    %select_n3A_272 = arith.select %eq3A_269, %squeeze3A_259, %broadcast_in_dim3A_271 : vector<256x512xi1>, vector<256x512xf32>
    %add3A_273 = arith.addf %add3A_257, %select_n3A_272 : vector<256x512xf32>
    %slice3A_274 = vector.extract_strided_slice %get3A_2 {offsets = [16, 0, 0], sizes = [1, 256, 512], strides = [1, 1, 1]} : vector<21x256x512xf32> to vector<1x256x512xf32>
    %squeeze3A_275 = vector.shape_cast %slice3A_274 : vector<1x256x512xf32> to vector<256x512xf32>
    %eq3A_276 = arith.constant 16 : i32
    %eq3A_277 = vector.broadcast %eq3A_276 : i32 to vector<256x512xi32>
    %eq3A_278 = arith.cmpi eq, %select_n3A, %eq3A_277 : vector<256x512xi32>
    %jit3A_279 = arith.constant 0.000000e+00 : f32
    %broadcast_in_dim3A_280 = vector.broadcast %jit3A_279 : f32 to vector<256x512xf32>
    %select_n3A_281 = arith.select %eq3A_278, %squeeze3A_275, %broadcast_in_dim3A_280 : vector<256x512xi1>, vector<256x512xf32>
    %add3A_282 = arith.addf %add3A_266, %select_n3A_281 : vector<256x512xf32>
    %eq3A_283 = arith.constant 16 : i32
    %eq3A_284 = vector.broadcast %eq3A_283 : i32 to vector<256x512xi32>
    %eq3A_285 = arith.cmpi eq, %select_n3A_16, %eq3A_284 : vector<256x512xi32>
    %jit3A_286 = arith.constant 0.000000e+00 : f32
    %broadcast_in_dim3A_287 = vector.broadcast %jit3A_286 : f32 to vector<256x512xf32>
    %select_n3A_288 = arith.select %eq3A_285, %squeeze3A_275, %broadcast_in_dim3A_287 : vector<256x512xi1>, vector<256x512xf32>
    %add3A_289 = arith.addf %add3A_273, %select_n3A_288 : vector<256x512xf32>
    %slice3A_290 = vector.extract_strided_slice %get3A_2 {offsets = [17, 0, 0], sizes = [1, 256, 512], strides = [1, 1, 1]} : vector<21x256x512xf32> to vector<1x256x512xf32>
    %squeeze3A_291 = vector.shape_cast %slice3A_290 : vector<1x256x512xf32> to vector<256x512xf32>
    %eq3A_292 = arith.constant 17 : i32
    %eq3A_293 = vector.broadcast %eq3A_292 : i32 to vector<256x512xi32>
    %eq3A_294 = arith.cmpi eq, %select_n3A, %eq3A_293 : vector<256x512xi32>
    %jit3A_295 = arith.constant 0.000000e+00 : f32
    %broadcast_in_dim3A_296 = vector.broadcast %jit3A_295 : f32 to vector<256x512xf32>
    %select_n3A_297 = arith.select %eq3A_294, %squeeze3A_291, %broadcast_in_dim3A_296 : vector<256x512xi1>, vector<256x512xf32>
    %add3A_298 = arith.addf %add3A_282, %select_n3A_297 : vector<256x512xf32>
    %eq3A_299 = arith.constant 17 : i32
    %eq3A_300 = vector.broadcast %eq3A_299 : i32 to vector<256x512xi32>
    %eq3A_301 = arith.cmpi eq, %select_n3A_16, %eq3A_300 : vector<256x512xi32>
    %jit3A_302 = arith.constant 0.000000e+00 : f32
    %broadcast_in_dim3A_303 = vector.broadcast %jit3A_302 : f32 to vector<256x512xf32>
    %select_n3A_304 = arith.select %eq3A_301, %squeeze3A_291, %broadcast_in_dim3A_303 : vector<256x512xi1>, vector<256x512xf32>
    %add3A_305 = arith.addf %add3A_289, %select_n3A_304 : vector<256x512xf32>
    %slice3A_306 = vector.extract_strided_slice %get3A_2 {offsets = [18, 0, 0], sizes = [1, 256, 512], strides = [1, 1, 1]} : vector<21x256x512xf32> to vector<1x256x512xf32>
    %squeeze3A_307 = vector.shape_cast %slice3A_306 : vector<1x256x512xf32> to vector<256x512xf32>
    %eq3A_308 = arith.constant 18 : i32
    %eq3A_309 = vector.broadcast %eq3A_308 : i32 to vector<256x512xi32>
    %eq3A_310 = arith.cmpi eq, %select_n3A, %eq3A_309 : vector<256x512xi32>
    %jit3A_311 = arith.constant 0.000000e+00 : f32
    %broadcast_in_dim3A_312 = vector.broadcast %jit3A_311 : f32 to vector<256x512xf32>
    %select_n3A_313 = arith.select %eq3A_310, %squeeze3A_307, %broadcast_in_dim3A_312 : vector<256x512xi1>, vector<256x512xf32>
    %add3A_314 = arith.addf %add3A_298, %select_n3A_313 : vector<256x512xf32>
    %eq3A_315 = arith.constant 18 : i32
    %eq3A_316 = vector.broadcast %eq3A_315 : i32 to vector<256x512xi32>
    %eq3A_317 = arith.cmpi eq, %select_n3A_16, %eq3A_316 : vector<256x512xi32>
    %jit3A_318 = arith.constant 0.000000e+00 : f32
    %broadcast_in_dim3A_319 = vector.broadcast %jit3A_318 : f32 to vector<256x512xf32>
    %select_n3A_320 = arith.select %eq3A_317, %squeeze3A_307, %broadcast_in_dim3A_319 : vector<256x512xi1>, vector<256x512xf32>
    %add3A_321 = arith.addf %add3A_305, %select_n3A_320 : vector<256x512xf32>
    %slice3A_322 = vector.extract_strided_slice %get3A_2 {offsets = [19, 0, 0], sizes = [1, 256, 512], strides = [1, 1, 1]} : vector<21x256x512xf32> to vector<1x256x512xf32>
    %squeeze3A_323 = vector.shape_cast %slice3A_322 : vector<1x256x512xf32> to vector<256x512xf32>
    %eq3A_324 = arith.constant 19 : i32
    %eq3A_325 = vector.broadcast %eq3A_324 : i32 to vector<256x512xi32>
    %eq3A_326 = arith.cmpi eq, %select_n3A, %eq3A_325 : vector<256x512xi32>
    %jit3A_327 = arith.constant 0.000000e+00 : f32
    %broadcast_in_dim3A_328 = vector.broadcast %jit3A_327 : f32 to vector<256x512xf32>
    %select_n3A_329 = arith.select %eq3A_326, %squeeze3A_323, %broadcast_in_dim3A_328 : vector<256x512xi1>, vector<256x512xf32>
    %add3A_330 = arith.addf %add3A_314, %select_n3A_329 : vector<256x512xf32>
    %eq3A_331 = arith.constant 19 : i32
    %eq3A_332 = vector.broadcast %eq3A_331 : i32 to vector<256x512xi32>
    %eq3A_333 = arith.cmpi eq, %select_n3A_16, %eq3A_332 : vector<256x512xi32>
    %jit3A_334 = arith.constant 0.000000e+00 : f32
    %broadcast_in_dim3A_335 = vector.broadcast %jit3A_334 : f32 to vector<256x512xf32>
    %select_n3A_336 = arith.select %eq3A_333, %squeeze3A_323, %broadcast_in_dim3A_335 : vector<256x512xi1>, vector<256x512xf32>
    %add3A_337 = arith.addf %add3A_321, %select_n3A_336 : vector<256x512xf32>
    %slice3A_338 = vector.extract_strided_slice %get3A_2 {offsets = [20, 0, 0], sizes = [1, 256, 512], strides = [1, 1, 1]} : vector<21x256x512xf32> to vector<1x256x512xf32>
    %squeeze3A_339 = vector.shape_cast %slice3A_338 : vector<1x256x512xf32> to vector<256x512xf32>
    %eq3A_340 = arith.constant 20 : i32
    %eq3A_341 = vector.broadcast %eq3A_340 : i32 to vector<256x512xi32>
    %eq3A_342 = arith.cmpi eq, %select_n3A, %eq3A_341 : vector<256x512xi32>
    %jit3A_343 = arith.constant 0.000000e+00 : f32
    %broadcast_in_dim3A_344 = vector.broadcast %jit3A_343 : f32 to vector<256x512xf32>
    %select_n3A_345 = arith.select %eq3A_342, %squeeze3A_339, %broadcast_in_dim3A_344 : vector<256x512xi1>, vector<256x512xf32>
    %add3A_346 = arith.addf %add3A_330, %select_n3A_345 : vector<256x512xf32>
    %eq3A_347 = arith.constant 20 : i32
    %eq3A_348 = vector.broadcast %eq3A_347 : i32 to vector<256x512xi32>
    %eq3A_349 = arith.cmpi eq, %select_n3A_16, %eq3A_348 : vector<256x512xi32>
    %jit3A_350 = arith.constant 0.000000e+00 : f32
    %broadcast_in_dim3A_351 = vector.broadcast %jit3A_350 : f32 to vector<256x512xf32>
    %select_n3A_352 = arith.select %eq3A_349, %squeeze3A_339, %broadcast_in_dim3A_351 : vector<256x512xi1>, vector<256x512xf32>
    %add3A_353 = arith.addf %add3A_337, %select_n3A_352 : vector<256x512xf32>
    %sub3A = arith.subf %add3A_346, %add3A_353 : vector<256x512xf32>
    %reduce_sum3A = arith.constant dense<0.000000e+00> : vector<256xf32>
    %reduce_sum3A_354 = vector.multi_reduction <add>, %sub3A, %reduce_sum3A [1] : vector<256x512xf32> to vector<256xf32>
    %reduce_sum3A_355 = arith.constant dense<0.000000e+00> : vector<256xf32>
    %reduce_sum3A_356 = vector.multi_reduction <add>, %get3A_11, %reduce_sum3A_355 [1] : vector<256x512xf32> to vector<256xf32>
    %get3A_357 = arith.constant 0 : index
    %get3A_358 = arith.constant 0 : index
    %get3A_359 = memref.load %arg1[%get3A_357, %get3A_358] : memref<1x1xf32, #tpu.memory_space<smem>>
    %mul3A = vector.broadcast %get3A_359 : f32 to vector<256xf32>
    %mul3A_360 = arith.mulf %mul3A, %reduce_sum3A_354 : vector<256xf32>
    %div3A = arith.divf %mul3A_360, %reduce_sum3A_356 : vector<256xf32>
    %swap3A = arith.constant 0 : index
    %swap3A_361 = vector.load %arg6[%swap3A] : memref<256xf32, #tpu.memory_space<vmem>>, vector<256xf32>
    tpu.vector_store %arg6[%swap3A], %div3A {strides = array<i32>} : memref<256xf32, #tpu.memory_space<vmem>>, vector<256xf32>,
    return
  }
  func.func @transform_0(%arg0: i32) -> (i32, i32) {
    %c0_i32 = arith.constant 0 : i32
    %c0_i32_0 = arith.constant 0 : i32
    %c0_i32_1 = arith.constant 0 : i32
    return %c0_i32, %c0_i32_0 : i32, i32
  }
  func.func @transform_1(%arg0: i32) -> (i32, i32, i32) {
    %c0_i32 = arith.constant 0 : i32
    %c0_i32_0 = arith.constant 0 : i32
    %c0_i32_1 = arith.constant 0 : i32
    return %c0_i32, %arg0, %c0_i32_0 : i32, i32, i32
  }
  func.func @transform_2(%arg0: i32) -> (i32, i32) {
    %c0_i32 = arith.constant 0 : i32
    %c0_i32_0 = arith.constant 0 : i32
    return %arg0, %c0_i32 : i32, i32
  }
  func.func @transform_3(%arg0: i32) -> (i32, i32) {
    %c0_i32 = arith.constant 0 : i32
    %c0_i32_0 = arith.constant 0 : i32
    return %arg0, %c0_i32 : i32, i32
  }
  func.func @transform_4(%arg0: i32) -> (i32, i32) {
    %c0_i32 = arith.constant 0 : i32
    %c0_i32_0 = arith.constant 0 : i32
    return %arg0, %c0_i32 : i32, i32
  }
  func.func @transform_5(%arg0: i32) -> i32 {
    %c0_i32 = arith.constant 0 : i32
    return %arg0 : i32
  }
}

</mosaic_0001>

<sc_bundles>
// kernel: kernel.4.cloned.1.call-start
scs
__scs_entry_jumppad:
0x0: {  	(pc) =	sbr.rel $0x88, $3  }
0x1: {  	(tag) =	ssettag $0x0;
	lr =	simm.s32 $0x1  }
0x2: {  	[smem:$0x3F9A] =	sst lr;
	_ =	strace $0xD0000000  }
0x3: {  	_ = 	snop  }
0x4: {  	_ = 	snop  }
0x5: {  	_ = 	snop  }
0x6: {  	_ = 	snop  }
0x7: {  	_ = 	snop  }
__scs_overlays_trampoline_lowered:
0x8: {  	[smem:$0x3FA9] =	sst s0  }
0x9: {  	[smem:$0x3FAA] =	sst s1  }
0xa: {  	[smem:$0x3FAB] =	sst s2  }
0xb: {  	[smem:$0x3FAC] =	sst s3  }
0xc: {  	[smem:$0x3FAD] =	sst s4  }
0xd: {  	[smem:$0x3FAE] =	sst s5  }
0xe: {  	[smem:$0x3FAF] =	sst s6  }
0xf: {  	[smem:$0x3FB0] =	sst s7  }
0x10: {  	[smem:$0x3FB1] =	sst s8  }
0x11: {  	[smem:$0x3FB2] =	sst s9;
	s0 =	simm.s32 @!p0 $0x0  }
0x12: {  	s1 =	sld [smem:$0x3F98];
	s0 =	simm.s32 @p0 $0x1  }
0x13: {  	[smem:$0x3FB3] =	sst s0;
	s0 =	simm.s32 @!p1 $0x0  }
0x14: {  	s2 =	sld [smem:$0x3F97];
	s0 =	simm.s32 @p1 $0x1  }
0x15: {  	[smem:$0x3FB4] =	sst s0;
	s0 =	simm.s32 @!p2 $0x0  }
0x16: {  	s3 =	sld [smem:$0x3FDB];
	s0 =	simm.s32 @p2 $0x1  }
0x17: {  	s4 =	simm.s32 $0x1BF5;
	[smem:$0x3FB6] =	sst s0  }
0x18: {  	s0 =	sld [smem:$0x3F99];
	_ =	swait.ge [sflag:s4], $0x0  }
0x19: {  	s7 =	sld [smem:$0x3F9A]  }
0x1a: {  	s8 =	sadd.s32 $0xFFFFE003, lr  }
0x1b: {  	s9 =	sadd.s32 $0xFFFFFEF7, lr;
	s5 =	simm.s32 $0xFFFFFFFF;
	p2 =	slt.u32 s8, $0xFFFFF086  }
0x1c: {  	p1 =	slt.u32 s9, $0xF7A;
	s5 =	simm.s32 @!p2 $0x0  }
0x1d: {  	s5 =	simm.s32 @p1 $0x1;
	p0 =	seq.s32 s7, s2  }
0x1e: {  	s7 =	smul.u32 @!p0 $0xF7A, s2;
	p2 =	seq.s32 @!p0 s5, $0x0  }
0x1f: {  	s9 =	smul.u32 $0xF7A, s1;
	s8 =	simm.s32 @!p0 $0x1BF5;
	p2 =	por !p2, p0  }
0x20: {  	[sflag:s8] =	ssyncset.s32 @!p0 $0xFFFFF086;
	s6 =	sadd.s32 @!p0 s3, s7;
	s7 =	simm.s32 @!p0 $0x108  }
0x21: {  	s3 =	sadd.s32 s3, s9;
	s6 =	sadd.s32 @!p0 $0x88, s6;
	s7 =	simm.s32 @p2 $0x1082  }
0x22: {  	[simem:s7], [sflag:s8] =	dma.local @!p0 [hbm:s6], $0xF7A  }
0x23: {  	s9 =	sor.u32 $0xD0000000, s2;
	s6 =	simm.s32 $0x108;
	_ =	swait.ge @!p0 [sflag:s8], $0x0  }
0x24: {  	s3 =	sadd.s32 $0x88, s3;
	s6 =	simm.s32 @!p1 $0x1082;
	[sflag:s4] =	ssyncset.s32 $0xFFFFF086  }
0x25: {  	[simem:s6], [sflag:s4] =	dma.local [hbm:s3], $0xF7A  }
0x26: {  	[smem:$0x3F9A] =	sst s1;
	(tag) =	ssettag s2;
	_ =	strace s9  }
0x27: {  	s1 =	sld [smem:$0x3FAA]  }
0x28: {  	s2 =	sld [smem:$0x3FAB]  }
0x29: {  	s4 =	sld [smem:$0x3FAD]  }
0x2a: {  	p0 =	seq.s32 s5, $0x0;
	s5 =	sld [smem:$0x3FAE]  }
0x2b: {  	s6 =	sld [smem:$0x3FAF]  }
0x2c: {  	s7 =	sld [smem:$0x3FB0]  }
0x2d: {  	s3 =	simm.s32 $0x108;
	s8 =	sld [smem:$0x3FB1]  }
0x2e: {  	s3 =	simm.s32 @!p0 $0x1082;
	s9 =	sld [smem:$0x3FB2]  }
0x2f: {  	lr =	sadd.s32 s0, s3;
	s0 =	sld [smem:$0x3FA9]  }
0x30: {  	s3 =	sld [smem:$0x3FAC]  }
0x31: {  	[smem:$0x3FB5] =	sst s10  }
0x32: {  	s10 =	sld [smem:$0x3FB3];
	_ =	sdelay $0x3  }
0x33: {  	p0 =	seq.s32 s10, $0x1;
	s10 =	sld [smem:$0x3FB5];
	_ =	sdelay $0x3  }
0x34: {  	[smem:$0x3FB5] =	sst s10  }
0x35: {  	s10 =	sld [smem:$0x3FB4];
	_ =	sdelay $0x3  }
0x36: {  	p1 =	seq.s32 s10, $0x1;
	s10 =	sld [smem:$0x3FB5];
	_ =	sdelay $0x3  }
0x37: {  	[smem:$0x3FB5] =	sst s10  }
0x38: {  	s10 =	sld [smem:$0x3FB6]  }
0x39: {  	_ = 	snop;
	(pc) =	sbr.ind lr, $3  }
0x3a: {  	_ = 	snop  }
0x3b: {  	_ = 	snop  }
0x3c: {  	p2 =	seq.s32 s10, $0x1;
	s10 =	sld [smem:$0x3FB5]  }
0x3d: {  	_ =	shalt  }
0x3e: {  	_ =	shalt  }
0x3f: {  	_ =	shalt  }
0x40: {  	_ =	shalt  }
0x41: {  	_ =	shalt  }
0x42: {  	_ =	shalt  }
0x43: {  	_ =	shalt  }
0x44: {  	_ =	shalt  }
0x45: {  	_ =	shalt  }
0x46: {  	_ =	shalt  }
0x47: {  	_ =	shalt  }
0x48: {  	_ =	shalt  }
0x49: {  	_ =	shalt  }
0x4a: {  	_ =	shalt  }
0x4b: {  	_ =	shalt  }
0x4c: {  	_ =	shalt  }
0x4d: {  	_ =	shalt  }
0x4e: {  	_ =	shalt  }
0x4f: {  	_ =	shalt  }
0x50: {  	_ =	shalt  }
0x51: {  	_ =	shalt  }
0x52: {  	_ =	shalt  }
0x53: {  	_ =	shalt  }
0x54: {  	_ =	shalt  }
0x55: {  	_ =	shalt  }
0x56: {  	_ =	shalt  }
0x57: {  	_ =	shalt  }
0x58: {  	_ =	shalt  }
0x59: {  	_ =	shalt  }
0x5a: {  	_ =	shalt  }
0x5b: {  	_ =	shalt  }
0x5c: {  	_ =	shalt  }
0x5d: {  	_ =	shalt  }
0x5e: {  	_ =	shalt  }
0x5f: {  	_ =	shalt  }
0x60: {  	_ =	shalt  }
0x61: {  	_ =	shalt  }
0x62: {  	_ =	shalt  }
0x63: {  	_ =	shalt  }
0x64: {  	_ =	shalt  }
0x65: {  	_ =	shalt  }
0x66: {  	_ =	shalt  }
0x67: {  	_ =	shalt  }
0x68: {  	_ =	shalt  }
0x69: {  	_ =	shalt  }
0x6a: {  	_ =	shalt  }
0x6b: {  	_ =	shalt  }
0x6c: {  	_ =	shalt  }
0x6d: {  	_ =	shalt  }
0x6e: {  	_ =	shalt  }
0x6f: {  	_ =	shalt  }
0x70: {  	_ =	shalt  }
0x71: {  	_ =	shalt  }
0x72: {  	_ =	shalt  }
0x73: {  	_ =	shalt  }
0x74: {  	_ =	shalt  }
0x75: {  	_ =	shalt  }
0x76: {  	_ =	shalt  }
0x77: {  	_ =	shalt  }
0x78: {  	_ =	shalt  }
0x79: {  	_ =	shalt  }
0x7a: {  	_ =	shalt  }
0x7b: {  	_ =	shalt  }
0x7c: {  	_ =	shalt  }
0x7d: {  	_ =	shalt  }
0x7e: {  	_ =	shalt  }
0x7f: {  	_ =	shalt  }
0x80: {  	_ =	shalt  }
0x81: {  	_ =	shalt  }
0x82: {  	_ =	shalt  }
0x83: {  	_ =	shalt  }
0x84: {  	_ =	shalt  }
0x85: {  	_ =	shalt  }
0x86: {  	_ =	shalt  }
0x87: {  	_ =	shalt  }
.Lfunc_end0:
.L_simem_size_0:
called_computation_lowered:
.L_overlay_start_0:
0x88: {  	s2 =	sld [smem:$0x3FD9]  }
0x89: {  	s3 =	sld [smem:$0x3FFE];
	_ =	sdelay $0x1  }
0x8a: {  	s1 =	srdreg.scid  }
0x8b: {  	s0 =	sand.u32 $0x1, s1  }
0x8c: {  	s14 =	sshll.u32 s0, $0xA;
	s2 =	sadd.s32 s3, s2  }
0x8d: {  	s2 =	sadd.s32 s2, s14  }
0x8e: {  	[smem:$0x3FC1] =	sst s2  }
0x8f: {  	_ = 	snop  }
0x90: {  	s2 =	sld [smem:$0x3FD0];
	_ =	sdelay $0x1  }
0x91: {  	s15 =	sld [smem:$0x3FC5]  }
0x92: {  	s5 =	simm.s32 $0xA;
	s6 =	simm.s32 $0x10;
	s4 =	sld [smem:$0x3FC4]  }
0x93: {  	[smem:s6], [sflag:s5] =	dma.local [hbm:s2], $0x1  }
0x94: {  	_ =	swait.eq [sflag:s5], $0x1  }
0x95: {  	s16 =	sld [smem:$0x10];
	[sflag:s5] =	ssyncset.done $0x0  }
0x96: {  	s17 =	sld [smem:$0x11];
	[sflag:s5] =	ssyncadd.s32 $0xFFFFFFFF  }
0x97: {  	s18 =	sld [smem:$0x12];
	(tm) =	ssettm $0x1  }
0x98: {  	s7 =	sld [smem:$0x3FFB];
	_ =	sdelay $0x3  }
0x99: {  	_ =	strace s7  }
0x9a: {  	s7 =	sld [smem:$0x3FFC];
	_ =	sdelay $0x3  }
0x9b: {  	_ =	strace s7  }
0x9c: {  	s7 =	sld [smem:$0x3FFD];
	_ =	sdelay $0x3  }
0x9d: {  	_ =	strace s7  }
0x9e: {  	_ =	strace $0x8FFFFFFF  }
0x9f: {  	s19 =	sld [smem:$0x3FDB];
	_ =	sdelay $0x1  }
0xa0: {  	s8 =	simm.s32 $_scs_section_size  }
0xa1: {  	s9 =	simm.s32 $_size__tile_overlayer_lowered;
	s10 =	simm.s32 $_tile_overlayer_lowered  }
0xa2: {  	s22 =	simm.s32 $0x1BFF;
	s21 =	sshll.u32 s10, $0x1;
	s7 =	sadd.s32 s8, s19  }
0xa3: {  	s11 =	simm.s32 $0x0;
	s20 =	sshll.u32 s9, $0x1;
	s9 =	sadd.s32 s21, s7  }
0xa4: {  	[timem:s11], [sflag:s22] =	dma.local [hbm:s9], s20  }
0xa5: {  	_ =	swait.ge [sflag:s22], s20  }
0xa6: {  	s8 =	ssub.s32 $0x0, s20;
	[sflag:s22] =	ssyncset.done $0x0  }
0xa7: {  	[sflag:s22] =	ssyncadd.s32 s8;
	_ =	sdelay $0x1  }
0xa8: {  	s23 =	simm.s32 $0x1B8B  }
0xa9: {  	_ =	swait.ge [sflag:s23], $0x1  }
0xaa: {  	[sflag:s23] =	ssyncset.done $0x0  }
0xab: {  	s25 =	simm.s32 $0x1B8E;
	s24 =	sld [smem:$0x3FFE];
	[sflag:s23] =	ssyncadd.s32 $0xFFFFFFFF  }
0xac: {  	s26 =	simm.s32 $execute0_lowered;
	[smem:$0x3FD2] =	sst s25  }
0xad: {  	s9 =	sshll.u32 s26, $0x1;
	_ =	strace $0x80000046;
	[dreg:$0x1] =	wrdreg $0xFFFFFFFF  }
0xae: {  	s28 =	simm.s32 $_size_execute0_lowered;
	s7 =	sadd.s32 s7, s9;
	[dreg:$0x0] =	wrdreg $0x0  }
0xaf: {  	s9 =	sshll.u32 s28, $0x1;
	[dreg:$0x2] =	wrdreg s7  }
0xb0: {  	[dreg:$0x3] =	wrdreg s9  }
0xb1: {  	[dreg:$0x4] =	wrdreg $0xC0  }
0xb2: {  	_ =	task [dreg:s11], $0x5FFFF  }
0xb3: {  	[dreg:$0x1] =	wrdreg $0xFFFFFFFF  }
0xb4: {  	[dreg:$0x0] =	wrdreg $0x60  }
0xb5: {  	[dreg:$0x2] =	wrdreg s24  }
0xb6: {  	[dreg:$0x3] =	wrdreg s4  }
0xb7: {  	[dreg:$0x4] =	wrdreg s15  }
0xb8: {  	[dreg:$0x5] =	wrdreg s17  }
0xb9: {  	[dreg:$0x6] =	wrdreg s18  }
0xba: {  	[dreg:$0x7] =	wrdreg s16  }
0xbb: {  	[dreg:$0x8] =	wrdreg $0x9  }
0xbc: {  	_ =	task.clear_ibuf [dreg:s11], $0x9FFFF;
	_ =	strace $0x90000046  }
0xbd: {  	s29 =	simm.s32 $0x9;
	_ =	strace $0x80000048  }
0xbe: {  	_ =	swait.ge [sflag:s29], $0x1  }
0xbf: {  	[sflag:s29] =	ssyncadd.s32 $0xFFFFFFFF  }
0xc0: {  	_ =	strace $0x90000048  }
0xc1: {  	_ =	sfence  }
0xc2: {  	s30 =	sld [smem:$0x0];
	_ =	sdelay $0x2  }
0xc3: {  	s31 =	sshll.u32 s1, $0xD;
	s1 =	sshrl.u32 s1, $0x2  }
0xc4: {  	s3 =	sand.u32 $0x4000, s31;
	s1 =	sadd.s32 s1, s30  }
0xc5: {  	s0 =	sor.u32 s3, s0;
	s1 =	sshll.u32 s1, $0x11  }
0xc6: {  	s0 =	sor.u32 s1, s0  }
0xc7: {  	s0 =	sadd.s32 $0x8F2B, s0  }
0xc8: {  	[sflag:s0] =	ssyncadd.remote.s32 $0x1  }
0xc9: {  	_ =	sfence.sel $0xFFFF  }
0xca: {  	[dreg:$0x0] =	wrdreg $0xFFFFFFFF;
	(pc) =	sbr.abs _section_cstart, $3  }
0xcb: {  	[dreg:$0x1] =	wrdreg $0xFFFFFFFF  }
0xcc: {  	_ =	task.clear_ibuf [dreg:s11], $0x2FFFF;
	_ =	strace $0x9FFFFFFF  }
0xcd: {  	(tm) =	ssettm $0x7FFFFFFF  }
tec
execute0_lowered:
.L_overlay_start_1:
0x0: {  	(tag) =	ssettag $0x1  }
0x1: {  	s2 =	srdreg.scid  }
0x2: {  	s8 =	sand.u32 $0x1, s2;
	s2 =	stileid.u32  }
0x3: {  	s7 =	rddreg [dreg:$0x0];
	s9 =	sshll.u32 s2, $0x1;
	s10 =	ssub.s32 $0x0, s8  }
0x4: {  	s0 =	rddreg [dreg:$0x1];
	p0 =	sne.s32 s9, s10  }
.Ltmp0:
0x5: {  	s1 =	rddreg [dreg:$0x2];
	(pc) =	sbr.rel @p0 .LBB2_7-.Ltmp0, $4  }
0x6: {  	s3 =	rddreg [dreg:$0x3]  }
0x7: {  	s5 =	rddreg [dreg:$0x4]  }
0x8: {  	s6 =	rddreg [dreg:$0x5]  }
0x9: {  	s4 =	rddreg [dreg:$0x6];
	_ =	strace $0x80000047  }
0xa: {  	v0 =	vimm.s32 $0x65432100;
	v1 =	vimm.s32 $0xEDCBA987  }
0xb: {  	v2 =	vimm.s32 $0x54321000;
	v3 =	vimm.s32 $0xDCBA9876;
	v4 =	vimm.s32 $0xBA987654  }
0xc: {  	v5 =	vimm.s32 $0x32100000;
	v6 =	vimm.s32 $0xE40000;
	v0 =	vunpack.c.l.s4.s8 v0  }
0xd: {  	v1 =	vunpack.c.l.s4.s8 v1;
	v2 =	vunpack.c.l.s4.s8 v2;
	v3 =	vunpack.c.l.s4.s8 v3  }
0xe: {  	v4 =	vunpack.c.l.s4.s8 v4;
	v5 =	vunpack.c.l.s4.s8 v5;
	v6 =	vunpack.c.l.s2.s4 v6  }
0xf: {  	v0 =	vunpack.c.0.s8.s32 v0;
	v1 =	vunpack.c.0.s8.s32 v1;
	v3 =	vunpack.c.0.s8.s32 v3  }
0x10: {  	v2 =	vunpack.c.0.s8.s32 v2;
	v4 =	vunpack.c.0.s8.s32 v4;
	v5 =	vunpack.c.0.s8.s32 v5  }
0x11: {  	v6 =	vunpack.c.l.s4.s8 v6;
	v1 =	vand.u32 $0xF, v1;
	v3 =	vand.u32 $0xF, v3  }
0x12: {  	s8 =	ssub.s32 $0x2, s8;
	s7 =	sadd.s32 $0x1000, s7;
	v0 =	vcombine.low v0, v1;
	v1 =	vcombine.low v2, v3;
	v2 =	vand.u32 $0xF, v4  }
0x13: {  	s10 =	simm.s32 $0x1;
	s11 =	simm.s32 $0x1880;
	s12 =	simm.s32 $0x2480;
	v4 =	vimm.s32 $0x7060504;
	v2 =	vcombine.low v5, v2;
	v5 =	vunpack.c.0.s8.s32 v6  }
0x14: {  	vm0 =	vmmov $0x3;
	vm1 =	vmmov $0xf;
	s13 =	simm.s32 $0xC00;
	s14 =	simm.s32 $0x2A80;
	s9 =	sshrl.u32 s8, $0x1;
	v4 =	vunpack.c.0.s8.s32 v4  }
0x15: {  	vm2 =	vcmask $0x3F30;
	s15 =	simm.s32 $0x3080;
	s16 =	simm.s32 $0x3680;
	s8 =	ssub.s32 s8, s9;
	v3 =	vlaneseq.u32;
	v5 =	vand.u32 $0x3, v5  }
0x16: {  	s17 =	simm.s32 $0x0;
	s9 =	simm.s32 $0x0;
	s8 =	smax.u32 s8, $0x1;
	v4 =	vsel vm2, v4, v5;
	vm2 =	vmmov $0xff;
	v5 =	vimm.s32 $0xF  }
.LBB2_2:
0x17: {  	[tilespmem:s9], [sflag:$0x1] =	stream.linear.gather [hbm4b:s7+s9], $0xC00, $0x38;
	[tilespmem:$0x3700] =	vst v63  }
0x18: {  	_ =	swait.ge [sflag:s10], $0xC00  }
0x19: {  	[sflag:s10] =	ssyncset.done $0x0  }
0x1a: {  	[sflag:s10] =	ssyncadd.s32 $0xFFFFF400  }
0x1b: {  	[tilespmem:s11], [sflag:$0x1] =	stream.linear.gather [hbm4b:s0+s9], $0xC00, $0x38;
	[tilespmem:$0x3700] =	vst v63  }
0x1c: {  	_ =	swait.ge [sflag:s10], $0xC00  }
0x1d: {  	[sflag:s10] =	ssyncset.done $0x0  }
0x1e: {  	[sflag:s10] =	ssyncadd.s32 $0xFFFFF400  }
0x1f: {  	[tilespmem:s12], [sflag:$0x1] =	stream.linear.gather [hbm4b:s1+s9], $0x600, $0x38;
	[tilespmem:$0x3700] =	vst v63  }
0x20: {  	_ =	swait.ge [sflag:s10], $0x600  }
0x21: {  	[sflag:s10] =	ssyncset.done $0x0  }
0x22: {  	s24 =	simm.s32 $0x0;
	[sflag:s10] =	ssyncadd.s32 $0xFFFFFA00  }
0x23: {  	v10 =	vld [tilespmem:s24+$0x0];
	_ =	sdelay $0x4  }
0x24: {  	v6 =	vperm.xlane v10, v0  }
0x25: {  	s18 =	simm.s32 $0x10;
	vm3 =	veq.s32 v3, $0x0  }
0x26: {  	v9 =	vld [tilespmem:s18+$0x0];
	v6 =	vsel vm3, $0x0, v6  }
0x27: {  	v6 =	vadd.f32 v6, v10;
	_ =	sdelay $0x1  }
0x28: {  	v11 =	vperm.xlane v6, v1;
	_ =	sdelay $0x1  }
0x29: {  	s19 =	simm.s32 $0x20;
	v8 =	vperm.xlane v9, v0;
	v11 =	vsel vm0, $0x0, v11  }
0x2a: {  	v7 =	vld [tilespmem:s19+$0x0];
	v11 =	vadd.f32 v11, v6  }
0x2b: {  	v8 =	vsel vm3, $0x0, v8  }
0x2c: {  	s20 =	simm.s32 $0x30;
	v8 =	vadd.f32 v8, v9;
	v13 =	vperm.xlane v11, v2  }
0x2d: {  	v6 =	vld [tilespmem:s20+$0x0]  }
0x2e: {  	v12 =	vperm.xlane v8, v1;
	v13 =	vsel vm1, $0x0, v13  }
0x2f: {  	v14 =	vperm.xlane v7, v0;
	v11 =	vadd.f32 v13, v11  }
0x30: {  	v12 =	vsel vm0, $0x0, v12  }
0x31: {  	s21 =	simm.s32 $0x40;
	v14 =	vsel vm3, $0x0, v14;
	v12 =	vadd.f32 v12, v8;
	v15 =	vperm.xlane v11, v4  }
0x32: {  	v8 =	vld [tilespmem:s21+$0x0];
	v13 =	vadd.f32 v14, v7;
	v14 =	vperm.xlane v6, v0  }
0x33: {  	v16 =	vperm.xlane v12, v2;
	v15 =	vsel vm2, $0x0, v15  }
0x34: {  	v17 =	vperm.xlane v13, v1;
	v14 =	vsel vm3, $0x0, v14;
	v15 =	vadd.f32 v15, v11  }
0x35: {  	v16 =	vsel vm1, $0x0, v16;
	v18 =	vadd.f32 v14, v6  }
0x36: {  	v17 =	vsel vm0, $0x0, v17;
	v11 =	vadd.f32 v16, v12;
	v10 =	vsub.f32 v15, v10  }
0x37: {  	s22 =	simm.s32 $0x50;
	v14 =	vperm.xlane v8, v0;
	v13 =	vadd.f32 v17, v13;
	v12 =	vimm.f32 $0.0e+00  }
0x38: {  	v17 =	vperm.xlane v18, v1;
	v16 =	vperm.xlane v11, v4;
	v20 =	vadd.f32 v10, v12;
	v10 =	vld [tilespmem:s22+$0x0]  }
0x39: {  	v14 =	vsel vm3, $0x0, v14;
	v19 =	vperm.xlane v13, v2  }
0x3a: {  	v14 =	vadd.f32 v14, v8;
	v17 =	vsel vm0, $0x0, v17;
	v16 =	vsel vm2, $0x0, v16  }
0x3b: {  	v19 =	vsel vm1, $0x0, v19;
	v11 =	vadd.f32 v16, v11;
	v16 =	vperm.xlane v15, v5  }
0x3c: {  	s23 =	simm.s32 $0x180;
	v15 =	vadd.f32 v17, v18;
	v13 =	vadd.f32 v19, v13;
	[tilespmem:s24+$0xC00] =	vst v20  }
.LBB2_3:
0x3d: {  	v17 =	vperm.xlane v10, v0;
	v18 =	vsub.f32 v11, v9;
	v12 =	vadd.f32 v16, v12;
	v9 =	vmovc v7;
	s24 =	smov.u32 s22;
	s22 =	sshra.s32 s23, $0x2;
	p0 =	sne.s32 s23, $0x2FC0  }
.Ltmp1:
0x3e: {  	v16 =	vperm.xlane v14, v1;
	v7 =	vmovc v6;
	v6 =	vmovc v8;
	v8 =	vmov v10;
	v19 =	vperm.xlane v13, v4;
	v10 =	vld [tilespmem:s22+$0x0];
	(pc) =	sbr.rel @p0 .LBB2_3-.Ltmp1, $4  }
0x3f: {  	v20 =	vperm.xlane v15, v2;
	v17 =	vsel vm3, $0x0, v17;
	v18 =	vadd.f32 v18, v12  }
0x40: {  	v21 =	vsel vm0, $0x0, v16;
	v17 =	vadd.f32 v17, v8;
	v19 =	vsel vm2, $0x0, v19  }
0x41: {  	s23 =	sadd.s32 $0x40, s23;
	v16 =	vperm.xlane v11, v5;
	v20 =	vsel vm1, $0x0, v20;
	[tilespmem:s18+$0xC00] =	vst v18;
	v11 =	vadd.f32 v19, v13;
	s18 =	smov.u32 s19  }
0x42: {  	v13 =	vadd.f32 v20, v15;
	v15 =	vadd.f32 v21, v14;
	s19 =	smov.u32 s20;
	s20 =	smov.u32 s21;
	s21 =	smov.u32 s24;
	v14 =	vmov v17  }
0x43: {  	v17 =	vperm.xlane v10, v0  }
0x44: {  	vm3 =	veq.s32 v3, $0x0  }
0x45: {  	v17 =	vsel vm3, $0x0, v17  }
0x46: {  	v18 =	vperm.xlane v14, v1;
	v17 =	vadd.f32 v17, v10;
	_ =	sdelay $0x1  }
0x47: {  	v18 =	vsel vm0, $0x0, v18;
	v19 =	vperm.xlane v17, v1  }
0x48: {  	v46 =	vperm.xlane v15, v2;
	v45 =	vadd.f32 v18, v14  }
0x49: {  	v12 =	vadd.f32 v16, v12;
	v47 =	vsel vm0, $0x0, v19  }
0x4a: {  	v18 =	vsel vm1, $0x0, v46;
	v48 =	vperm.xlane v45, v2;
	v16 =	vadd.f32 v47, v17  }
0x4b: {  	v9 =	vsub.f32 v11, v9;
	v49 =	vperm.xlane v13, v4;
	v50 =	vadd.f32 v18, v15  }
0x4c: {  	v11 =	vperm.xlane v11, v5;
	v51 =	vsel vm1, $0x0, v48;
	v52 =	vperm.xlane v16, v2  }
0x4d: {  	v53 =	vperm.xlane v50, v4;
	v17 =	vsel vm2, $0x0, v49;
	v14 =	vadd.f32 v51, v45  }
0x4e: {  	v9 =	vadd.f32 v9, v12;
	v54 =	vadd.f32 v17, v13;
	v55 =	vsel vm1, $0x0, v52  }
0x4f: {  	v18 =	vsel vm2, $0x0, v53;
	v56 =	vperm.xlane v14, v4;
	v16 =	vadd.f32 v55, v16  }
0x50: {  	v11 =	vadd.f32 v11, v12;
	v57 =	vadd.f32 v18, v50;
	v58 =	vperm.xlane v54, v5  }
0x51: {  	v7 =	vsub.f32 v54, v7;
	v59 =	vsel vm2, $0x0, v56;
	v17 =	vperm.xlane v16, v4  }
0x52: {  	v60 =	vperm.xlane v57, v5;
	v15 =	vadd.f32 v58, v11;
	v13 =	vadd.f32 v59, v14  }
0x53: {  	v6 =	vsub.f32 v57, v6;
	v7 =	vadd.f32 v7, v11;
	v11 =	vsel vm2, $0x0, v17  }
0x54: {  	v61 =	vadd.f32 v60, v15;
	v62 =	vperm.xlane v13, v5;
	v11 =	vadd.f32 v11, v16  }
0x55: {  	v6 =	vadd.f32 v6, v15;
	v8 =	vsub.f32 v13, v8  }
0x56: {  	[tilespmem:s18+$0xC00] =	vst v9;
	v9 =	vsub.f32 v11, v10;
	v10 =	vadd.f32 v62, v61  }
0x57: {  	[tilespmem:s19+$0xC00] =	vst v7;
	v7 =	vadd.f32 v8, v61;
	v8 =	vperm.xlane v11, v5  }
0x58: {  	[tilespmem:s20+$0xC00] =	vst v6;
	v6 =	vadd.f32 v9, v10  }
0x59: {  	[tilespmem:s21+$0xC00] =	vst v7;
	v7 =	vadd.f32 v8, v10  }
0x5a: {  	[tilespmem:s22+$0xC00] =	vst v6  }
0x5b: {  	s29 =	simm.s32 $0x2480;
	[tilespmem:$0x1800] =	vst v7  }
0x5c: {  	v6 =	vld [tilespmem:s29+$0x0];
	_ =	sdelay $0x4  }
0x5d: {  	v7 =	vperm.xlane v6, v0;
	_ =	sdelay $0x1  }
0x5e: {  	v7 =	vsel vm3, $0x0, v7  }
0x5f: {  	v7 =	vadd.s32 v6, v7  }
0x60: {  	v8 =	vperm.xlane v7, v1;
	_ =	sdelay $0x1  }
0x61: {  	v8 =	vsel vm0, $0x0, v8  }
0x62: {  	v7 =	vadd.s32 v8, v7  }
0x63: {  	v8 =	vperm.xlane v7, v2;
	_ =	sdelay $0x1  }
0x64: {  	v8 =	vsel vm1, $0x0, v8  }
0x65: {  	v7 =	vadd.s32 v8, v7  }
0x66: {  	v8 =	vperm.xlane v7, v4  }
0x67: {  	s30 =	simm.s32 $0x0;
	v9 =	vimm.s32 $0x0  }
0x68: {  	v10 =	vadd.s32 s30, v9;
	v8 =	vsel vm2, $0x0, v8  }
0x69: {  	v7 =	vadd.s32 v8, v7;
	v8 =	vadd.s32 v3, v10  }
0x6a: {  	v10 =	vadd.s32 v7, v8  }
0x6b: {  	v6 =	vsub.s32 v7, v6;
	v10 =	vadd.s32 $0x1, v10  }
0x6c: {  	v6 =	vadd.s32 v8, v6;
	_ =	sdelay $0x3  }
0x6d: {  	v8 =	vld.idx.msk [tilespmem:v10+s13+$0x0], $0xffff  }
0x6e: {  	v10 =	vld.idx.msk [tilespmem:v6+s9+$0x0], $0xffff  }
0x6f: {  	v11 =	vld.idx.msk [tilespmem:v6+s13+$0x0], $0xffff;
	_ =	sdelay $0x4  }
0x70: {  	v63 =	vld.idx.msk [tilespmem:v6+s11+$0x0], $0xffff;
	v6 =	vadd.f32 v10, v10;
	v8 =	vsub.f32 v8, v11;
	_ =	sdelay $0x1  }
0x71: {  	v7 =	vperm.xlane v7, v5;
	v10 =	vsub.f32 v6, v8  }
0x72: {  	s18 =	simm.s32 $0x2A80  }
0x73: {  	s31 =	simm.s32 $0x10;
	s19 =	simm.s32 $0x3080;
	v8 =	vadd.s32 v9, v7;
	[tilespmem:s18+$0x0] =	vst v10  }
0x74: {  	s20 =	simm.s32 $0x2490;
	s22 =	simm.s32 $0x20;
	v6 =	vimm.f32 $0.0e+00;
	v7 =	vadd.s32 s31, v8;
	v9 =	vsub.f32 v10, v63;
	[tilespmem:s19+$0x0] =	vst v63  }
.LBB2_5:
0x75: {  	s18 =	sadd.s32 $0x10, s18  }
0x76: {  	v10 =	vld [tilespmem:s20+$0x0];
	v9 =	vmul.f32 v9, v9;
	s19 =	sadd.s32 $0x10, s19;
	s23 =	smov.u32 s22;
	s21 =	sadd.s32 $0x10, s22  }
0x77: {  	p0 =	sne.s32 s22, $0x5F0  }
0x78: {  	v6 =	vadd.f32 v9, v6;
	_ =	sdelay $0x2  }
0x79: {  	v9 =	vperm.xlane v10, v0;
	_ =	sdelay $0x1  }
0x7a: {  	v9 =	vsel vm3, $0x0, v9  }
0x7b: {  	v9 =	vadd.s32 v10, v9  }
0x7c: {  	v11 =	vperm.xlane v9, v1;
	_ =	sdelay $0x1  }
0x7d: {  	v11 =	vsel vm0, $0x0, v11  }
0x7e: {  	v9 =	vadd.s32 v11, v9  }
0x7f: {  	v11 =	vperm.xlane v9, v2;
	_ =	sdelay $0x1  }
0x80: {  	v11 =	vsel vm1, $0x0, v11  }
0x81: {  	v9 =	vadd.s32 v11, v9  }
0x82: {  	v11 =	vperm.xlane v9, v4;
	_ =	sdelay $0x1  }
0x83: {  	v11 =	vsel vm2, $0x0, v11  }
0x84: {  	v7 =	vadd.s32 v3, v7;
	v9 =	vadd.s32 v11, v9  }
0x85: {  	v10 =	vsub.s32 v9, v10;
	v11 =	vadd.s32 v9, v7;
	v9 =	vperm.xlane v9, v5  }
0x86: {  	v10 =	vadd.s32 v7, v10;
	v11 =	vadd.s32 $0x1, v11  }
0x87: {  	v8 =	vadd.s32 v8, v9  }
0x88: {  	v7 =	vadd.s32 s23, v8;
	_ =	sdelay $0x2  }
0x89: {  	v9 =	vld.idx.msk [tilespmem:v11+s13+$0x0], $0xffff  }
0x8a: {  	v11 =	vld.idx.msk [tilespmem:v10+s9+$0x0], $0xffff  }
0x8b: {  	v12 =	vld.idx.msk [tilespmem:v10+s13+$0x0], $0xffff;
	_ =	sdelay $0x2  }
0x8c: {  	v10 =	vld.idx.msk [tilespmem:v10+s11+$0x0], $0xffff;
	_ =	sdelay $0x1  }
0x8d: {  	v11 =	vadd.f32 v11, v11  }
0x8e: {  	v9 =	vsub.f32 v9, v12  }
.Ltmp2:
0x8f: {  	(pc) =	sbr.rel @p0 .LBB2_5-.Ltmp2, $3  }
0x90: {  	v9 =	vsub.f32 v11, v9;
	_ =	sdelay $0x1  }
0x91: {  	[tilespmem:s18+$0x0] =	vst v9;
	v9 =	vsub.f32 v9, v10  }
0x92: {  	s20 =	sadd.s32 $0x10, s20;
	s22 =	smov.u32 s21;
	[tilespmem:s19+$0x0] =	vst v10  }
0x93: {  	v8 =	vld [tilespmem:s20+$0x0];
	_ =	sdelay $0x4  }
0x94: {  	v10 =	vperm.xlane v8, v0  }
0x95: {  	vm3 =	veq.s32 v3, $0x0  }
0x96: {  	v10 =	vsel vm3, $0x0, v10  }
0x97: {  	v10 =	vadd.s32 v8, v10  }
0x98: {  	v11 =	vperm.xlane v10, v1;
	_ =	sdelay $0x1  }
0x99: {  	v11 =	vsel vm0, $0x0, v11  }
0x9a: {  	v10 =	vadd.s32 v11, v10  }
0x9b: {  	v11 =	vperm.xlane v10, v2;
	_ =	sdelay $0x1  }
0x9c: {  	v11 =	vsel vm1, $0x0, v11  }
0x9d: {  	v10 =	vadd.s32 v11, v10  }
0x9e: {  	v11 =	vperm.xlane v10, v4;
	_ =	sdelay $0x1  }
0x9f: {  	v11 =	vsel vm2, $0x0, v11  }
0xa0: {  	v7 =	vadd.s32 v3, v7;
	v10 =	vadd.s32 v11, v10  }
0xa1: {  	v11 =	vadd.s32 v10, v7  }
0xa2: {  	v8 =	vsub.s32 v10, v8;
	v59 =	vadd.s32 $0x1, v11  }
0xa3: {  	v7 =	vadd.s32 v7, v8;
	_ =	sdelay $0x3  }
0xa4: {  	v60 =	vld.idx.msk [tilespmem:v59+s13+$0x0], $0xffff  }
0xa5: {  	v61 =	vld.idx.msk [tilespmem:v7+s9+$0x0], $0xffff  }
0xa6: {  	v62 =	vld.idx.msk [tilespmem:v7+s13+$0x0], $0xffff;
	_ =	sdelay $0x3  }
0xa7: {  	v7 =	vld.idx.msk [tilespmem:v7+s11+$0x0], $0xffff  }
0xa8: {  	v8 =	vsub.f32 v60, v62;
	v10 =	vadd.f32 v61, v61;
	_ =	sdelay $0x1  }
0xa9: {  	v8 =	vsub.f32 v10, v8;
	_ =	sdelay $0x1  }
0xaa: {  	v9 =	vmul.f32 v9, v9;
	v10 =	vsub.f32 v8, v7;
	_ =	sdelay $0x1  }
0xab: {  	v6 =	vadd.f32 v9, v6;
	v63 =	vmul.f32 v10, v10;
	_ =	sdelay $0x1  }
0xac: {  	v6 =	vadd.f32 v63, v6;
	_ =	sdelay $0x1  }
0xad: {  	v9 =	vperm.xlane v6, v0;
	_ =	sdelay $0x1  }
0xae: {  	v9 =	vsel vm3, $0x0, v9  }
0xaf: {  	v6 =	vadd.f32 v9, v6;
	_ =	sdelay $0x1  }
0xb0: {  	v9 =	vperm.xlane v6, v1;
	_ =	sdelay $0x1  }
0xb1: {  	v9 =	vsel vm0, $0x0, v9  }
0xb2: {  	v6 =	vadd.f32 v9, v6;
	_ =	sdelay $0x1  }
0xb3: {  	v9 =	vperm.xlane v6, v2;
	_ =	sdelay $0x1  }
0xb4: {  	v9 =	vsel vm1, $0x0, v9  }
0xb5: {  	v6 =	vadd.f32 v9, v6;
	_ =	sdelay $0x1  }
0xb6: {  	v9 =	vperm.xlane v6, v4;
	_ =	sdelay $0x1  }
0xb7: {  	v9 =	vsel vm2, $0x0, v9  }
0xb8: {  	v6 =	vadd.f32 v9, v6;
	_ =	sdelay $0x1  }
0xb9: {  	v6 =	vperm.xlane v6, v5  }
0xba: {  	s18 =	sadd.s32 $0x10, s18  }
0xbb: {  	s19 =	sadd.s32 $0x10, s19;
	[tilespmem:s18+$0x0] =	vst v8;
	v6 =	vmul.f32 $6.510416860e-04, v6  }
0xbc: {  	[tilespmem:s19+$0x0] =	vst v7  }
0xbd: {  	[tilespmem:$0x3680] =	vst v6  }
0xbe: {  	[hbm4b:s3+s9] =	stream.linear.scatter [tilespmem:s14], [sflag:$0x1], $0x600, $0x38;
	[tilespmem:$0x3700] =	vst v63  }
0xbf: {  	_ =	swait.ge [sflag:s10], $0x600  }
0xc0: {  	[sflag:s10] =	ssyncset.done $0x0  }
0xc1: {  	[sflag:s10] =	ssyncadd.s32 $0xFFFFFA00  }
0xc2: {  	[hbm4b:s5+s9] =	stream.linear.scatter [tilespmem:s15], [sflag:$0x1], $0x600, $0x38;
	[tilespmem:$0x3700] =	vst v63  }
0xc3: {  	s17 =	sadd.s32 $0x1, s17;
	_ =	swait.ge [sflag:s10], $0x600  }
0xc4: {  	p0 =	sne.s32 s17, s8;
	[sflag:s10] =	ssyncset.done $0x0  }
.Ltmp3:
0xc5: {  	[sflag:s10] =	ssyncadd.s32 $0xFFFFFA00;
	(pc) =	sbr.rel @p0 .LBB2_2-.Ltmp3, $4  }
0xc6: {  	[hbm4b:s6+s9] =	stream.linear.scatter [tilespmem:s16], [sflag:$0x1], $0x80, $0x38;
	[tilespmem:$0x3700] =	vst v63  }
0xc7: {  	_ =	swait.ge [sflag:s10], $0x80  }
0xc8: {  	[sflag:s10] =	ssyncset.done $0x0  }
0xc9: {  	[sflag:s10] =	ssyncadd.s32 $0xFFFFFF80  }
.LBB2_7:
0xca: {  	_ =	sfence.sel $0x180000  }
0xcb: {  	[bflag:$0x0] =	sbarrier.arrive $0xFFFF  }
0xcc: {  	p0 =	sne.s32 s2, $0x0;
	_ =	strace $0x90000047  }
0xcd: {  	s0 =	sadd.s32 @!p0 $0x100000, s4;
	[bflag:$0x2] =	sbarrier.arrive $0xFFFF  }
0xce: {  	[sflag:s0] =	ssyncadd.tile.s32 @!p0 $0x1;
	_ =	shalt  }
.Lfunc_end2:
_tile_overlayer_lowered:
.L_overlay_start_2:
0xcf: {  	(tag) =	ssettag $0x2  }
0xd0: {  	s0 =	rddreg [dreg:$0x0];
	s2 =	stileid.u32  }
0xd1: {  	s1 =	rddreg [dreg:$0x1];
	p0 =	sne.s32 s2, $0x0  }
0xd2: {  	s3 =	rddreg [dreg:$0x2];
	[bflag:$0x3] =	sbarrier.arrive $0xFFFF;
	s2 =	simm.s32 @!p0 $0x1C01  }
0xd3: {  	[timem:s3], [sflag:s2] =	dma.local @!p0 [hbm:s0], s1  }
0xd4: {  	s0 =	simm.s32 @!p0 $0x1  }
0xd5: {  	_ =	swait.ge @!p0 [sflag:s0], s1  }
0xd6: {  	s1 =	ssub.s32 @!p0 $0x0, s1;
	[sflag:s0] =	ssyncset.done @!p0 $0x0  }
0xd7: {  	[sflag:s0] =	ssyncadd.s32 @!p0 s1  }
0xd8: {  	[bflag:$0x3] =	sbarrier.arrive $0xFFFF  }
0xd9: {  	_ =	shalt  }

</sc_bundles>
